<compile_context>
chip_gen: v7x
topology: tpu7x:2x2x1
jax: 0.10.2.dev20260603
libtpu: 0.0.44.dev20260713+nightly
codegen_flags: <defaults>
</compile_context>

<pallas_src>
import jax
import jax.numpy as jnp
from jax import lax
from jax.experimental import pallas as pl
from jax.experimental.pallas import tpu as pltpu
from jax.experimental.pallas import tpu_sc as plsc

_B = 128
_N = 32768
_L = 16
_NC = 2
_NS = 16
_NW = _NC * _NS
_SCROWS = _NW
_TCR = _B - _SCROWS
_QPR = 8
_Q = _N // _QPR
_TCROWS = 48


def _sc_body(in_hbm, out_hbm, *refs):
    inbufs = refs[:_QPR]
    zbuf = refs[_QPR]
    patch = refs[_QPR + 1]
    in_sems = refs[_QPR + 2 : 2 * _QPR + 2]
    sem_z = refs[2 * _QPR + 2]
    sem_p = refs[2 * _QPR + 3]

    cid = lax.axis_index("c")
    sid = lax.axis_index("s")
    wid = sid * _NC + cid
    row = _TCR + wid

    in_handles = [
        pltpu.async_copy(
            in_hbm.at[row, pl.ds(p * _Q, _Q)], inbufs[p], in_sems[p]
        )
        for p in range(_QPR)
    ]

    zero16 = jnp.zeros((_L,), jnp.float32)

    def zero_body(i, _):
        zbuf[pl.ds(i * _L, _L)] = zero16
        return 0

    lax.fori_loop(0, _Q // _L, zero_body, 0, unroll=8)
    z_handles = [
        pltpu.async_copy(zbuf, out_hbm.at[row, pl.ds(p * _Q, _Q)], sem_z)
        for p in range(_QPR)
    ]

    lane = lax.iota(jnp.int32, _L)
    neg_inf = jnp.full((_L,), -jnp.inf, jnp.float32)

    def make_argmax_body(buf, base):
        def argmax_body(i, carry):
            v0, i0, v1, i1 = carry
            cur = base + i * (2 * _L) + lane
            x0 = buf[pl.ds(i * (2 * _L), _L)]
            x1 = buf[pl.ds(i * (2 * _L) + _L, _L)]
            b0 = x0 > v0
            b1 = x1 > v1
            v0 = jnp.where(b0, x0, v0)
            i0 = jnp.where(b0, cur, i0)
            v1 = jnp.where(b1, x1, v1)
            i1 = jnp.where(b1, cur + _L, i1)
            return v0, i0, v1, i1

        return argmax_body

    carry = (neg_inf, lane, neg_inf, lane + _L)
    for p in range(_QPR):
        in_handles[p].wait()
        carry = lax.fori_loop(
            0, _Q // (2 * _L), make_argmax_body(inbufs[p], p * _Q), carry,
            unroll=4,
        )
    v0, i0, v1, i1 = carry
    take1 = jnp.logical_or(v1 > v0, jnp.logical_and(v1 == v0, i1 < i0))
    best_v = jnp.where(take1, v1, v0)
    best_i = jnp.where(take1, i1, i0)
    for s in (8, 4, 2, 1):
        perm = jnp.bitwise_xor(lane, s)
        ov = best_v.at[perm].get(mode="promise_in_bounds")
        oi = best_i.at[perm].get(mode="promise_in_bounds")
        better = jnp.logical_or(
            ov > best_v, jnp.logical_and(ov == best_v, oi < best_i)
        )
        best_v = jnp.where(better, ov, best_v)
        best_i = jnp.where(better, oi, best_i)
    idx = best_i[0]
    off = jnp.bitwise_and(idx, _L - 1)
    blk = pl.multiple_of(jnp.bitwise_and(idx, -_L), _L)
    patch[:] = jnp.where(lane == off, 1.0, 0.0).astype(jnp.float32)

    for h in z_handles:
        h.wait()
    pltpu.async_copy(
        patch, out_hbm.at[row, pl.ds(blk, _L)], sem_p
    ).wait()


def _sc_partial(tensor):
    mesh = plsc.VectorSubcoreMesh(
        core_axis_name="c", subcore_axis_name="s", num_cores=_NC, num_subcores=_NS
    )
    f = pl.kernel(
        _sc_body,
        out_type=jax.ShapeDtypeStruct((_B, _N), jnp.float32),
        mesh=mesh,
        scratch_types=(
            [pltpu.VMEM((_Q,), jnp.float32) for _ in range(_QPR)]
            + [pltpu.VMEM((_Q,), jnp.float32), pltpu.VMEM((_L,), jnp.float32)]
            + [pltpu.SemaphoreType.DMA for _ in range(_QPR + 2)]
        ),
    )
    return f(tensor)


def _tc_argmax_block(in_ref, out_ref):
    x = in_ref[...]
    col = lax.broadcasted_iota(jnp.int32, (_TCROWS, _N), 1)
    m = jnp.max(x, axis=1, keepdims=True)
    idx = jnp.min(jnp.where(x == m, col, _N), axis=1)
    out_ref[...] = idx.reshape(1, 1, _TCROWS)


def _tc_argmax(tensor):
    nblk = _TCR // _TCROWS
    return pl.pallas_call(
        _tc_argmax_block,
        grid=(nblk,),
        in_specs=[pl.BlockSpec((_TCROWS, _N), lambda i: (i, 0))],
        out_specs=pl.BlockSpec((1, 1, _TCROWS), lambda i: (i, 0, 0)),
        out_shape=jax.ShapeDtypeStruct((nblk, 1, _TCROWS), jnp.int32),
    )(tensor)


def _onehot_block(idx_ref, carry_ref, out_ref):
    del carry_ref
    g = pl.program_id(0)
    col = lax.broadcasted_iota(jnp.int32, (_TCROWS, _N), 1)
    tgt = jnp.stack([idx_ref[g, 0, k] for k in range(_TCROWS)])
    out_ref[...] = (col == tgt[:, None]).astype(jnp.float32)


def _tc_onehot(idx_tc, y_sc):
    return pl.pallas_call(
        _onehot_block,
        grid=(_TCR // _TCROWS,),
        in_specs=[
            pl.BlockSpec(memory_space=pltpu.SMEM),
            pl.BlockSpec(memory_space=pl.ANY),
        ],
        out_specs=pl.BlockSpec((_TCROWS, _N), lambda i: (i, 0)),
        out_shape=jax.ShapeDtypeStruct((_B, _N), jnp.float32),
        input_output_aliases={1: 0},
    )(idx_tc, y_sc)


def kernel(tensor):
    y_sc = _sc_partial(tensor)
    idx_tc = _tc_argmax(tensor)
    return _tc_onehot(idx_tc, y_sc)

# --- scband reference (transcript-rebuilt; emitter-appended) ---
"""Pipeline reference for scband-winner-take-all-8589934850 (READ-ONLY COPY).

The authoritative reference and input builder live on the scoring server;
editing this copy changes nothing except your own understanding.
"""

import jax, jax.numpy as jnp
import numpy as np


def setup_inputs(seed: int = 0) -> dict:
    key = jax.random.key(seed)
    tensor = jax.random.normal(key, (128, 32768), dtype=jnp.float32)
    return {"tensor": tensor}


def reference(tensor):
    # Faithful translation of WinnerTakeAll.forward:
    #   flatten all dims after batch, find per-row argmax, emit one-hot, reshape back.
    input_shape = tensor.shape
    flat = tensor.reshape(tensor.shape[0], -1)
    winners = jnp.argmax(flat, axis=1)
    out = jnp.zeros(flat.shape, dtype=flat.dtype).at[jnp.arange(flat.shape[0]), winners].set(1.0)
    return out.reshape(input_shape)

if __name__ == "__main__":
    import jax
    _d = setup_inputs()
    print(jax.jit(kernel)(*tuple(_d.values())))

</pallas_src>

<mosaic_0001>
#map = affine_map<(d0, d1) -> (0, 0)>
module attributes {stable_mosaic.version = 14 : i64} {
  func.func @_sc_body(%arg0: i32, %arg1: i32, %arg2: memref<128x32768xf32, #tpu.memory_space<hbm>>, %arg3: memref<128x32768xf32, #tpu.memory_space<hbm>>, %arg4: memref<4096xf32, #tpu.memory_space<vmem>>, %arg5: memref<4096xf32, #tpu.memory_space<vmem>>, %arg6: memref<4096xf32, #tpu.memory_space<vmem>>, %arg7: memref<4096xf32, #tpu.memory_space<vmem>>, %arg8: memref<4096xf32, #tpu.memory_space<vmem>>, %arg9: memref<4096xf32, #tpu.memory_space<vmem>>, %arg10: memref<4096xf32, #tpu.memory_space<vmem>>, %arg11: memref<4096xf32, #tpu.memory_space<vmem>>, %arg12: memref<4096xf32, #tpu.memory_space<vmem>>, %arg13: memref<16xf32, #tpu.memory_space<vmem>>, %arg14: memref<!tpu.dma_semaphore, #tpu.memory_space<semaphore_mem>>, %arg15: memref<!tpu.dma_semaphore, #tpu.memory_space<semaphore_mem>>, %arg16: memref<!tpu.dma_semaphore, #tpu.memory_space<semaphore_mem>>, %arg17: memref<!tpu.dma_semaphore, #tpu.memory_space<semaphore_mem>>, %arg18: memref<!tpu.dma_semaphore, #tpu.memory_space<semaphore_mem>>, %arg19: memref<!tpu.dma_semaphore, #tpu.memory_space<semaphore_mem>>, %arg20: memref<!tpu.dma_semaphore, #tpu.memory_space<semaphore_mem>>, %arg21: memref<!tpu.dma_semaphore, #tpu.memory_space<semaphore_mem>>, %arg22: memref<!tpu.dma_semaphore, #tpu.memory_space<semaphore_mem>>, %arg23: memref<!tpu.dma_semaphore, #tpu.memory_space<semaphore_mem>>) attributes {dimension_semantics = [#tpu.dimension_semantics<core_parallel>, #tpu.dimension_semantics<subcore_parallel>], iteration_bounds = array<i64: 2, 16>, scalar_prefetch = 0 : i64, scratch_operands = 20 : i64, tpu.core_type = #tpu.core_type<sc_vector_subcore>, window_params = [{transform_indices = #map}, {transform_indices = #map}]} {
    %mul3A = arith.constant 2 : i32
    %mul3A_0 = arith.muli %arg1, %mul3A : i32
    %add3A = arith.addi %mul3A_0, %arg0 : i32
    %add3A_1 = arith.constant 96 : i32
    %add3A_2 = arith.addi %add3A_1, %add3A : i32
    %dma_start3A = arith.constant 0 : i32
    %dma_start3A_3 = tpu.memref_slice %arg2[%add3A_2, %dma_start3A] : memref<128x32768xf32, #tpu.memory_space<hbm>> -> memref<1x4096xf32, #tpu.memory_space<hbm>>
    %dma_start3A_4 = tpu.memref_squeeze %dma_start3A_3 : memref<1x4096xf32, #tpu.memory_space<hbm>> -> memref<4096xf32, #tpu.memory_space<hbm>>
    %dma_start3A_5 = arith.constant 0 : i32
    %dma_start3A_6 = tpu.memref_slice %arg2[%add3A_2, %dma_start3A_5] : memref<128x32768xf32, #tpu.memory_space<hbm>> -> memref<1x4096xf32, #tpu.memory_space<hbm>>
    %dma_start3A_7 = tpu.memref_squeeze %dma_start3A_6 : memref<1x4096xf32, #tpu.memory_space<hbm>> -> memref<4096xf32, #tpu.memory_space<hbm>>
    tpu.enqueue_dma source(%dma_start3A_7 : memref<4096xf32, #tpu.memory_space<hbm>>) target(%arg4 : memref<4096xf32, #tpu.memory_space<vmem>>) target_semaphore(%arg14 : memref<!tpu.dma_semaphore, #tpu.memory_space<semaphore_mem>>)
    %dma_start3A_8 = arith.constant 4096 : i32
    %dma_start3A_9 = tpu.memref_slice %arg2[%add3A_2, %dma_start3A_8] : memref<128x32768xf32, #tpu.memory_space<hbm>> -> memref<1x4096xf32, #tpu.memory_space<hbm>>
    %dma_start3A_10 = tpu.memref_squeeze %dma_start3A_9 : memref<1x4096xf32, #tpu.memory_space<hbm>> -> memref<4096xf32, #tpu.memory_space<hbm>>
    %dma_start3A_11 = arith.constant 4096 : i32
    %dma_start3A_12 = tpu.memref_slice %arg2[%add3A_2, %dma_start3A_11] : memref<128x32768xf32, #tpu.memory_space<hbm>> -> memref<1x4096xf32, #tpu.memory_space<hbm>>
    %dma_start3A_13 = tpu.memref_squeeze %dma_start3A_12 : memref<1x4096xf32, #tpu.memory_space<hbm>> -> memref<4096xf32, #tpu.memory_space<hbm>>
    tpu.enqueue_dma source(%dma_start3A_13 : memref<4096xf32, #tpu.memory_space<hbm>>) target(%arg5 : memref<4096xf32, #tpu.memory_space<vmem>>) target_semaphore(%arg15 : memref<!tpu.dma_semaphore, #tpu.memory_space<semaphore_mem>>)
    %dma_start3A_14 = arith.constant 8192 : i32
    %dma_start3A_15 = tpu.memref_slice %arg2[%add3A_2, %dma_start3A_14] : memref<128x32768xf32, #tpu.memory_space<hbm>> -> memref<1x4096xf32, #tpu.memory_space<hbm>>
    %dma_start3A_16 = tpu.memref_squeeze %dma_start3A_15 : memref<1x4096xf32, #tpu.memory_space<hbm>> -> memref<4096xf32, #tpu.memory_space<hbm>>
    %dma_start3A_17 = arith.constant 8192 : i32
    %dma_start3A_18 = tpu.memref_slice %arg2[%add3A_2, %dma_start3A_17] : memref<128x32768xf32, #tpu.memory_space<hbm>> -> memref<1x4096xf32, #tpu.memory_space<hbm>>
    %dma_start3A_19 = tpu.memref_squeeze %dma_start3A_18 : memref<1x4096xf32, #tpu.memory_space<hbm>> -> memref<4096xf32, #tpu.memory_space<hbm>>
    tpu.enqueue_dma source(%dma_start3A_19 : memref<4096xf32, #tpu.memory_space<hbm>>) target(%arg6 : memref<4096xf32, #tpu.memory_space<vmem>>) target_semaphore(%arg16 : memref<!tpu.dma_semaphore, #tpu.memory_space<semaphore_mem>>)
    %dma_start3A_20 = arith.constant 12288 : i32
    %dma_start3A_21 = tpu.memref_slice %arg2[%add3A_2, %dma_start3A_20] : memref<128x32768xf32, #tpu.memory_space<hbm>> -> memref<1x4096xf32, #tpu.memory_space<hbm>>
    %dma_start3A_22 = tpu.memref_squeeze %dma_start3A_21 : memref<1x4096xf32, #tpu.memory_space<hbm>> -> memref<4096xf32, #tpu.memory_space<hbm>>
    %dma_start3A_23 = arith.constant 12288 : i32
    %dma_start3A_24 = tpu.memref_slice %arg2[%add3A_2, %dma_start3A_23] : memref<128x32768xf32, #tpu.memory_space<hbm>> -> memref<1x4096xf32, #tpu.memory_space<hbm>>
    %dma_start3A_25 = tpu.memref_squeeze %dma_start3A_24 : memref<1x4096xf32, #tpu.memory_space<hbm>> -> memref<4096xf32, #tpu.memory_space<hbm>>
    tpu.enqueue_dma source(%dma_start3A_25 : memref<4096xf32, #tpu.memory_space<hbm>>) target(%arg7 : memref<4096xf32, #tpu.memory_space<vmem>>) target_semaphore(%arg17 : memref<!tpu.dma_semaphore, #tpu.memory_space<semaphore_mem>>)
    %dma_start3A_26 = arith.constant 16384 : i32
    %dma_start3A_27 = tpu.memref_slice %arg2[%add3A_2, %dma_start3A_26] : memref<128x32768xf32, #tpu.memory_space<hbm>> -> memref<1x4096xf32, #tpu.memory_space<hbm>>
    %dma_start3A_28 = tpu.memref_squeeze %dma_start3A_27 : memref<1x4096xf32, #tpu.memory_space<hbm>> -> memref<4096xf32, #tpu.memory_space<hbm>>
    %dma_start3A_29 = arith.constant 16384 : i32
    %dma_start3A_30 = tpu.memref_slice %arg2[%add3A_2, %dma_start3A_29] : memref<128x32768xf32, #tpu.memory_space<hbm>> -> memref<1x4096xf32, #tpu.memory_space<hbm>>
    %dma_start3A_31 = tpu.memref_squeeze %dma_start3A_30 : memref<1x4096xf32, #tpu.memory_space<hbm>> -> memref<4096xf32, #tpu.memory_space<hbm>>
    tpu.enqueue_dma source(%dma_start3A_31 : memref<4096xf32, #tpu.memory_space<hbm>>) target(%arg8 : memref<4096xf32, #tpu.memory_space<vmem>>) target_semaphore(%arg18 : memref<!tpu.dma_semaphore, #tpu.memory_space<semaphore_mem>>)
    %dma_start3A_32 = arith.constant 20480 : i32
    %dma_start3A_33 = tpu.memref_slice %arg2[%add3A_2, %dma_start3A_32] : memref<128x32768xf32, #tpu.memory_space<hbm>> -> memref<1x4096xf32, #tpu.memory_space<hbm>>
    %dma_start3A_34 = tpu.memref_squeeze %dma_start3A_33 : memref<1x4096xf32, #tpu.memory_space<hbm>> -> memref<4096xf32, #tpu.memory_space<hbm>>
    %dma_start3A_35 = arith.constant 20480 : i32
    %dma_start3A_36 = tpu.memref_slice %arg2[%add3A_2, %dma_start3A_35] : memref<128x32768xf32, #tpu.memory_space<hbm>> -> memref<1x4096xf32, #tpu.memory_space<hbm>>
    %dma_start3A_37 = tpu.memref_squeeze %dma_start3A_36 : memref<1x4096xf32, #tpu.memory_space<hbm>> -> memref<4096xf32, #tpu.memory_space<hbm>>
    tpu.enqueue_dma source(%dma_start3A_37 : memref<4096xf32, #tpu.memory_space<hbm>>) target(%arg9 : memref<4096xf32, #tpu.memory_space<vmem>>) target_semaphore(%arg19 : memref<!tpu.dma_semaphore, #tpu.memory_space<semaphore_mem>>)
    %dma_start3A_38 = arith.constant 24576 : i32
    %dma_start3A_39 = tpu.memref_slice %arg2[%add3A_2, %dma_start3A_38] : memref<128x32768xf32, #tpu.memory_space<hbm>> -> memref<1x4096xf32, #tpu.memory_space<hbm>>
    %dma_start3A_40 = tpu.memref_squeeze %dma_start3A_39 : memref<1x4096xf32, #tpu.memory_space<hbm>> -> memref<4096xf32, #tpu.memory_space<hbm>>
    %dma_start3A_41 = arith.constant 24576 : i32
    %dma_start3A_42 = tpu.memref_slice %arg2[%add3A_2, %dma_start3A_41] : memref<128x32768xf32, #tpu.memory_space<hbm>> -> memref<1x4096xf32, #tpu.memory_space<hbm>>
    %dma_start3A_43 = tpu.memref_squeeze %dma_start3A_42 : memref<1x4096xf32, #tpu.memory_space<hbm>> -> memref<4096xf32, #tpu.memory_space<hbm>>
    tpu.enqueue_dma source(%dma_start3A_43 : memref<4096xf32, #tpu.memory_space<hbm>>) target(%arg10 : memref<4096xf32, #tpu.memory_space<vmem>>) target_semaphore(%arg20 : memref<!tpu.dma_semaphore, #tpu.memory_space<semaphore_mem>>)
    %dma_start3A_44 = arith.constant 28672 : i32
    %dma_start3A_45 = tpu.memref_slice %arg2[%add3A_2, %dma_start3A_44] : memref<128x32768xf32, #tpu.memory_space<hbm>> -> memref<1x4096xf32, #tpu.memory_space<hbm>>
    %dma_start3A_46 = tpu.memref_squeeze %dma_start3A_45 : memref<1x4096xf32, #tpu.memory_space<hbm>> -> memref<4096xf32, #tpu.memory_space<hbm>>
    %dma_start3A_47 = arith.constant 28672 : i32
    %dma_start3A_48 = tpu.memref_slice %arg2[%add3A_2, %dma_start3A_47] : memref<128x32768xf32, #tpu.memory_space<hbm>> -> memref<1x4096xf32, #tpu.memory_space<hbm>>
    %dma_start3A_49 = tpu.memref_squeeze %dma_start3A_48 : memref<1x4096xf32, #tpu.memory_space<hbm>> -> memref<4096xf32, #tpu.memory_space<hbm>>
    tpu.enqueue_dma source(%dma_start3A_49 : memref<4096xf32, #tpu.memory_space<hbm>>) target(%arg11 : memref<4096xf32, #tpu.memory_space<vmem>>) target_semaphore(%arg21 : memref<!tpu.dma_semaphore, #tpu.memory_space<semaphore_mem>>)
    %broadcast_in_dim3A = arith.constant 0.000000e+00 : f32
    %broadcast_in_dim3A_50 = vector.broadcast %broadcast_in_dim3A : f32 to vector<16xf32>
    %scan3A = arith.constant 0 : i32
    %scan3A_51 = arith.constant 0 : i32
    %scan3A_52 = arith.constant 256 : i32
    %scan3A_53 = arith.addi %scan3A_51, %scan3A_52 : i32
    %scan3A_54 = arith.constant 8 : i32
    %scan3A_55 = scf.for %scan3A_393 = %scan3A_51 to %scan3A_53 step %scan3A_54 iter_args(%scan3A_394 = %scan3A) -> (i32)  : i32 {
      %mul3A_395 = arith.constant 16 : i32
      %mul3A_396 = arith.muli %scan3A_393, %mul3A_395 : i32
      %swap3A_397 = arith.index_cast %mul3A_396 : i32 to index
      %swap3A_398 = tpu.vector_load %arg12[%swap3A_397] {strides = array<i32>} : memref<4096xf32, #tpu.memory_space<vmem>>, vector<16xf32>,
      %swap3A_399 = vector.shape_cast %swap3A_398 : vector<16xf32> to vector<16xf32>
      %swap3A_400 = vector.shape_cast %broadcast_in_dim3A_50 : vector<16xf32> to vector<16xf32>
      tpu.vector_store %arg12[%swap3A_397], %swap3A_400 {strides = array<i32>} : memref<4096xf32, #tpu.memory_space<vmem>>, vector<16xf32>,
      %scan3A_401 = arith.constant 0 : i32
      %scan3A_402 = arith.constant 1 : i32
      %scan3A_403 = arith.addi %scan3A_393, %scan3A_402 : i32
      %mul3A_404 = arith.constant 16 : i32
      %mul3A_405 = arith.muli %scan3A_403, %mul3A_404 : i32
      %swap3A_406 = arith.index_cast %mul3A_405 : i32 to index
      %swap3A_407 = tpu.vector_load %arg12[%swap3A_406] {strides = array<i32>} : memref<4096xf32, #tpu.memory_space<vmem>>, vector<16xf32>,
      %swap3A_408 = vector.shape_cast %swap3A_407 : vector<16xf32> to vector<16xf32>
      %swap3A_409 = vector.shape_cast %broadcast_in_dim3A_50 : vector<16xf32> to vector<16xf32>
      tpu.vector_store %arg12[%swap3A_406], %swap3A_409 {strides = array<i32>} : memref<4096xf32, #tpu.memory_space<vmem>>, vector<16xf32>,
      %scan3A_410 = arith.constant 0 : i32
      %scan3A_411 = arith.constant 2 : i32
      %scan3A_412 = arith.addi %scan3A_393, %scan3A_411 : i32
      %mul3A_413 = arith.constant 16 : i32
      %mul3A_414 = arith.muli %scan3A_412, %mul3A_413 : i32
      %swap3A_415 = arith.index_cast %mul3A_414 : i32 to index
      %swap3A_416 = tpu.vector_load %arg12[%swap3A_415] {strides = array<i32>} : memref<4096xf32, #tpu.memory_space<vmem>>, vector<16xf32>,
      %swap3A_417 = vector.shape_cast %swap3A_416 : vector<16xf32> to vector<16xf32>
      %swap3A_418 = vector.shape_cast %broadcast_in_dim3A_50 : vector<16xf32> to vector<16xf32>
      tpu.vector_store %arg12[%swap3A_415], %swap3A_418 {strides = array<i32>} : memref<4096xf32, #tpu.memory_space<vmem>>, vector<16xf32>,
      %scan3A_419 = arith.constant 0 : i32
      %scan3A_420 = arith.constant 3 : i32
      %scan3A_421 = arith.addi %scan3A_393, %scan3A_420 : i32
      %mul3A_422 = arith.constant 16 : i32
      %mul3A_423 = arith.muli %scan3A_421, %mul3A_422 : i32
      %swap3A_424 = arith.index_cast %mul3A_423 : i32 to index
      %swap3A_425 = tpu.vector_load %arg12[%swap3A_424] {strides = array<i32>} : memref<4096xf32, #tpu.memory_space<vmem>>, vector<16xf32>,
      %swap3A_426 = vector.shape_cast %swap3A_425 : vector<16xf32> to vector<16xf32>
      %swap3A_427 = vector.shape_cast %broadcast_in_dim3A_50 : vector<16xf32> to vector<16xf32>
      tpu.vector_store %arg12[%swap3A_424], %swap3A_427 {strides = array<i32>} : memref<4096xf32, #tpu.memory_space<vmem>>, vector<16xf32>,
      %scan3A_428 = arith.constant 0 : i32
      %scan3A_429 = arith.constant 4 : i32
      %scan3A_430 = arith.addi %scan3A_393, %scan3A_429 : i32
      %mul3A_431 = arith.constant 16 : i32
      %mul3A_432 = arith.muli %scan3A_430, %mul3A_431 : i32
      %swap3A_433 = arith.index_cast %mul3A_432 : i32 to index
      %swap3A_434 = tpu.vector_load %arg12[%swap3A_433] {strides = array<i32>} : memref<4096xf32, #tpu.memory_space<vmem>>, vector<16xf32>,
      %swap3A_435 = vector.shape_cast %swap3A_434 : vector<16xf32> to vector<16xf32>
      %swap3A_436 = vector.shape_cast %broadcast_in_dim3A_50 : vector<16xf32> to vector<16xf32>
      tpu.vector_store %arg12[%swap3A_433], %swap3A_436 {strides = array<i32>} : memref<4096xf32, #tpu.memory_space<vmem>>, vector<16xf32>,
      %scan3A_437 = arith.constant 0 : i32
      %scan3A_438 = arith.constant 5 : i32
      %scan3A_439 = arith.addi %scan3A_393, %scan3A_438 : i32
      %mul3A_440 = arith.constant 16 : i32
      %mul3A_441 = arith.muli %scan3A_439, %mul3A_440 : i32
      %swap3A_442 = arith.index_cast %mul3A_441 : i32 to index
      %swap3A_443 = tpu.vector_load %arg12[%swap3A_442] {strides = array<i32>} : memref<4096xf32, #tpu.memory_space<vmem>>, vector<16xf32>,
      %swap3A_444 = vector.shape_cast %swap3A_443 : vector<16xf32> to vector<16xf32>
      %swap3A_445 = vector.shape_cast %broadcast_in_dim3A_50 : vector<16xf32> to vector<16xf32>
      tpu.vector_store %arg12[%swap3A_442], %swap3A_445 {strides = array<i32>} : memref<4096xf32, #tpu.memory_space<vmem>>, vector<16xf32>,
      %scan3A_446 = arith.constant 0 : i32
      %scan3A_447 = arith.constant 6 : i32
      %scan3A_448 = arith.addi %scan3A_393, %scan3A_447 : i32
      %mul3A_449 = arith.constant 16 : i32
      %mul3A_450 = arith.muli %scan3A_448, %mul3A_449 : i32
      %swap3A_451 = arith.index_cast %mul3A_450 : i32 to index
      %swap3A_452 = tpu.vector_load %arg12[%swap3A_451] {strides = array<i32>} : memref<4096xf32, #tpu.memory_space<vmem>>, vector<16xf32>,
      %swap3A_453 = vector.shape_cast %swap3A_452 : vector<16xf32> to vector<16xf32>
      %swap3A_454 = vector.shape_cast %broadcast_in_dim3A_50 : vector<16xf32> to vector<16xf32>
      tpu.vector_store %arg12[%swap3A_451], %swap3A_454 {strides = array<i32>} : memref<4096xf32, #tpu.memory_space<vmem>>, vector<16xf32>,
      %scan3A_455 = arith.constant 0 : i32
      %scan3A_456 = arith.constant 7 : i32
      %scan3A_457 = arith.addi %scan3A_393, %scan3A_456 : i32
      %mul3A_458 = arith.constant 16 : i32
      %mul3A_459 = arith.muli %scan3A_457, %mul3A_458 : i32
      %swap3A_460 = arith.index_cast %mul3A_459 : i32 to index
      %swap3A_461 = tpu.vector_load %arg12[%swap3A_460] {strides = array<i32>} : memref<4096xf32, #tpu.memory_space<vmem>>, vector<16xf32>,
      %swap3A_462 = vector.shape_cast %swap3A_461 : vector<16xf32> to vector<16xf32>
      %swap3A_463 = vector.shape_cast %broadcast_in_dim3A_50 : vector<16xf32> to vector<16xf32>
      tpu.vector_store %arg12[%swap3A_460], %swap3A_463 {strides = array<i32>} : memref<4096xf32, #tpu.memory_space<vmem>>, vector<16xf32>,
      %scan3A_464 = arith.constant 0 : i32
      scf.yield %scan3A_464 : i32
    }
    %scan3A_56 = arith.constant 256 : i32
    %dma_start3A_57 = arith.constant 0 : i32
    %dma_start3A_58 = tpu.memref_slice %arg3[%add3A_2, %dma_start3A_57] : memref<128x32768xf32, #tpu.memory_space<hbm>> -> memref<1x4096xf32, #tpu.memory_space<hbm>>
    %dma_start3A_59 = tpu.memref_squeeze %dma_start3A_58 : memref<1x4096xf32, #tpu.memory_space<hbm>> -> memref<4096xf32, #tpu.memory_space<hbm>>
    %dma_start3A_60 = arith.constant 0 : i32
    %dma_start3A_61 = tpu.memref_slice %arg3[%add3A_2, %dma_start3A_60] : memref<128x32768xf32, #tpu.memory_space<hbm>> -> memref<1x4096xf32, #tpu.memory_space<hbm>>
    %dma_start3A_62 = tpu.memref_squeeze %dma_start3A_61 : memref<1x4096xf32, #tpu.memory_space<hbm>> -> memref<4096xf32, #tpu.memory_space<hbm>>
    tpu.enqueue_dma source(%arg12 : memref<4096xf32, #tpu.memory_space<vmem>>) target(%dma_start3A_62 : memref<4096xf32, #tpu.memory_space<hbm>>) target_semaphore(%arg22 : memref<!tpu.dma_semaphore, #tpu.memory_space<semaphore_mem>>)
    %dma_start3A_63 = arith.constant 4096 : i32
    %dma_start3A_64 = tpu.memref_slice %arg3[%add3A_2, %dma_start3A_63] : memref<128x32768xf32, #tpu.memory_space<hbm>> -> memref<1x4096xf32, #tpu.memory_space<hbm>>
    %dma_start3A_65 = tpu.memref_squeeze %dma_start3A_64 : memref<1x4096xf32, #tpu.memory_space<hbm>> -> memref<4096xf32, #tpu.memory_space<hbm>>
    %dma_start3A_66 = arith.constant 4096 : i32
    %dma_start3A_67 = tpu.memref_slice %arg3[%add3A_2, %dma_start3A_66] : memref<128x32768xf32, #tpu.memory_space<hbm>> -> memref<1x4096xf32, #tpu.memory_space<hbm>>
    %dma_start3A_68 = tpu.memref_squeeze %dma_start3A_67 : memref<1x4096xf32, #tpu.memory_space<hbm>> -> memref<4096xf32, #tpu.memory_space<hbm>>
    tpu.enqueue_dma source(%arg12 : memref<4096xf32, #tpu.memory_space<vmem>>) target(%dma_start3A_68 : memref<4096xf32, #tpu.memory_space<hbm>>) target_semaphore(%arg22 : memref<!tpu.dma_semaphore, #tpu.memory_space<semaphore_mem>>)
    %dma_start3A_69 = arith.constant 8192 : i32
    %dma_start3A_70 = tpu.memref_slice %arg3[%add3A_2, %dma_start3A_69] : memref<128x32768xf32, #tpu.memory_space<hbm>> -> memref<1x4096xf32, #tpu.memory_space<hbm>>
    %dma_start3A_71 = tpu.memref_squeeze %dma_start3A_70 : memref<1x4096xf32, #tpu.memory_space<hbm>> -> memref<4096xf32, #tpu.memory_space<hbm>>
    %dma_start3A_72 = arith.constant 8192 : i32
    %dma_start3A_73 = tpu.memref_slice %arg3[%add3A_2, %dma_start3A_72] : memref<128x32768xf32, #tpu.memory_space<hbm>> -> memref<1x4096xf32, #tpu.memory_space<hbm>>
    %dma_start3A_74 = tpu.memref_squeeze %dma_start3A_73 : memref<1x4096xf32, #tpu.memory_space<hbm>> -> memref<4096xf32, #tpu.memory_space<hbm>>
    tpu.enqueue_dma source(%arg12 : memref<4096xf32, #tpu.memory_space<vmem>>) target(%dma_start3A_74 : memref<4096xf32, #tpu.memory_space<hbm>>) target_semaphore(%arg22 : memref<!tpu.dma_semaphore, #tpu.memory_space<semaphore_mem>>)
    %dma_start3A_75 = arith.constant 12288 : i32
    %dma_start3A_76 = tpu.memref_slice %arg3[%add3A_2, %dma_start3A_75] : memref<128x32768xf32, #tpu.memory_space<hbm>> -> memref<1x4096xf32, #tpu.memory_space<hbm>>
    %dma_start3A_77 = tpu.memref_squeeze %dma_start3A_76 : memref<1x4096xf32, #tpu.memory_space<hbm>> -> memref<4096xf32, #tpu.memory_space<hbm>>
    %dma_start3A_78 = arith.constant 12288 : i32
    %dma_start3A_79 = tpu.memref_slice %arg3[%add3A_2, %dma_start3A_78] : memref<128x32768xf32, #tpu.memory_space<hbm>> -> memref<1x4096xf32, #tpu.memory_space<hbm>>
    %dma_start3A_80 = tpu.memref_squeeze %dma_start3A_79 : memref<1x4096xf32, #tpu.memory_space<hbm>> -> memref<4096xf32, #tpu.memory_space<hbm>>
    tpu.enqueue_dma source(%arg12 : memref<4096xf32, #tpu.memory_space<vmem>>) target(%dma_start3A_80 : memref<4096xf32, #tpu.memory_space<hbm>>) target_semaphore(%arg22 : memref<!tpu.dma_semaphore, #tpu.memory_space<semaphore_mem>>)
    %dma_start3A_81 = arith.constant 16384 : i32
    %dma_start3A_82 = tpu.memref_slice %arg3[%add3A_2, %dma_start3A_81] : memref<128x32768xf32, #tpu.memory_space<hbm>> -> memref<1x4096xf32, #tpu.memory_space<hbm>>
    %dma_start3A_83 = tpu.memref_squeeze %dma_start3A_82 : memref<1x4096xf32, #tpu.memory_space<hbm>> -> memref<4096xf32, #tpu.memory_space<hbm>>
    %dma_start3A_84 = arith.constant 16384 : i32
    %dma_start3A_85 = tpu.memref_slice %arg3[%add3A_2, %dma_start3A_84] : memref<128x32768xf32, #tpu.memory_space<hbm>> -> memref<1x4096xf32, #tpu.memory_space<hbm>>
    %dma_start3A_86 = tpu.memref_squeeze %dma_start3A_85 : memref<1x4096xf32, #tpu.memory_space<hbm>> -> memref<4096xf32, #tpu.memory_space<hbm>>
    tpu.enqueue_dma source(%arg12 : memref<4096xf32, #tpu.memory_space<vmem>>) target(%dma_start3A_86 : memref<4096xf32, #tpu.memory_space<hbm>>) target_semaphore(%arg22 : memref<!tpu.dma_semaphore, #tpu.memory_space<semaphore_mem>>)
    %dma_start3A_87 = arith.constant 20480 : i32
    %dma_start3A_88 = tpu.memref_slice %arg3[%add3A_2, %dma_start3A_87] : memref<128x32768xf32, #tpu.memory_space<hbm>> -> memref<1x4096xf32, #tpu.memory_space<hbm>>
    %dma_start3A_89 = tpu.memref_squeeze %dma_start3A_88 : memref<1x4096xf32, #tpu.memory_space<hbm>> -> memref<4096xf32, #tpu.memory_space<hbm>>
    %dma_start3A_90 = arith.constant 20480 : i32
    %dma_start3A_91 = tpu.memref_slice %arg3[%add3A_2, %dma_start3A_90] : memref<128x32768xf32, #tpu.memory_space<hbm>> -> memref<1x4096xf32, #tpu.memory_space<hbm>>
    %dma_start3A_92 = tpu.memref_squeeze %dma_start3A_91 : memref<1x4096xf32, #tpu.memory_space<hbm>> -> memref<4096xf32, #tpu.memory_space<hbm>>
    tpu.enqueue_dma source(%arg12 : memref<4096xf32, #tpu.memory_space<vmem>>) target(%dma_start3A_92 : memref<4096xf32, #tpu.memory_space<hbm>>) target_semaphore(%arg22 : memref<!tpu.dma_semaphore, #tpu.memory_space<semaphore_mem>>)
    %dma_start3A_93 = arith.constant 24576 : i32
    %dma_start3A_94 = tpu.memref_slice %arg3[%add3A_2, %dma_start3A_93] : memref<128x32768xf32, #tpu.memory_space<hbm>> -> memref<1x4096xf32, #tpu.memory_space<hbm>>
    %dma_start3A_95 = tpu.memref_squeeze %dma_start3A_94 : memref<1x4096xf32, #tpu.memory_space<hbm>> -> memref<4096xf32, #tpu.memory_space<hbm>>
    %dma_start3A_96 = arith.constant 24576 : i32
    %dma_start3A_97 = tpu.memref_slice %arg3[%add3A_2, %dma_start3A_96] : memref<128x32768xf32, #tpu.memory_space<hbm>> -> memref<1x4096xf32, #tpu.memory_space<hbm>>
    %dma_start3A_98 = tpu.memref_squeeze %dma_start3A_97 : memref<1x4096xf32, #tpu.memory_space<hbm>> -> memref<4096xf32, #tpu.memory_space<hbm>>
    tpu.enqueue_dma source(%arg12 : memref<4096xf32, #tpu.memory_space<vmem>>) target(%dma_start3A_98 : memref<4096xf32, #tpu.memory_space<hbm>>) target_semaphore(%arg22 : memref<!tpu.dma_semaphore, #tpu.memory_space<semaphore_mem>>)
    %dma_start3A_99 = arith.constant 28672 : i32
    %dma_start3A_100 = tpu.memref_slice %arg3[%add3A_2, %dma_start3A_99] : memref<128x32768xf32, #tpu.memory_space<hbm>> -> memref<1x4096xf32, #tpu.memory_space<hbm>>
    %dma_start3A_101 = tpu.memref_squeeze %dma_start3A_100 : memref<1x4096xf32, #tpu.memory_space<hbm>> -> memref<4096xf32, #tpu.memory_space<hbm>>
    %dma_start3A_102 = arith.constant 28672 : i32
    %dma_start3A_103 = tpu.memref_slice %arg3[%add3A_2, %dma_start3A_102] : memref<128x32768xf32, #tpu.memory_space<hbm>> -> memref<1x4096xf32, #tpu.memory_space<hbm>>
    %dma_start3A_104 = tpu.memref_squeeze %dma_start3A_103 : memref<1x4096xf32, #tpu.memory_space<hbm>> -> memref<4096xf32, #tpu.memory_space<hbm>>
    tpu.enqueue_dma source(%arg12 : memref<4096xf32, #tpu.memory_space<vmem>>) target(%dma_start3A_104 : memref<4096xf32, #tpu.memory_space<hbm>>) target_semaphore(%arg22 : memref<!tpu.dma_semaphore, #tpu.memory_space<semaphore_mem>>)
    %iota3A = tpu.iota {dimensions = array<i32: 0>} : vector<16xi32>
    %broadcast_in_dim3A_105 = arith.constant 0xFF800000 : f32
    %broadcast_in_dim3A_106 = vector.broadcast %broadcast_in_dim3A_105 : f32 to vector<16xf32>
    %add3A_107 = arith.constant 16 : i32
    %add3A_108 = vector.broadcast %add3A_107 : i32 to vector<16xi32>
    %add3A_109 = arith.addi %iota3A, %add3A_108 : vector<16xi32>
    %dma_wait3A = arith.constant 0 : i32
    %dma_wait3A_110 = tpu.memref_slice %arg2[%add3A_2, %dma_wait3A] : memref<128x32768xf32, #tpu.memory_space<hbm>> -> memref<1x4096xf32, #tpu.memory_space<hbm>>
    %dma_wait3A_111 = tpu.memref_squeeze %dma_wait3A_110 : memref<1x4096xf32, #tpu.memory_space<hbm>> -> memref<4096xf32, #tpu.memory_space<hbm>>
    %dma_wait3A_112 = arith.constant 0 : i32
    %dma_wait3A_113 = tpu.memref_slice %arg2[%add3A_2, %dma_wait3A_112] : memref<128x32768xf32, #tpu.memory_space<hbm>> -> memref<1x4096xf32, #tpu.memory_space<hbm>>
    %dma_wait3A_114 = tpu.memref_squeeze %dma_wait3A_113 : memref<1x4096xf32, #tpu.memory_space<hbm>> -> memref<4096xf32, #tpu.memory_space<hbm>>
    tpu.wait_dma2 semaphore(%arg14 : memref<!tpu.dma_semaphore, #tpu.memory_space<semaphore_mem>>) src(%dma_wait3A_114 : memref<4096xf32, #tpu.memory_space<hbm>>) dst(%arg4 : memref<4096xf32, #tpu.memory_space<vmem>>)
    %scan3A_115 = arith.constant 0 : i32
    %scan3A_116 = arith.constant 128 : i32
    %scan3A_117 = arith.addi %scan3A_115, %scan3A_116 : i32
    %scan3A_118 = arith.constant 4 : i32
    %scan3A_119:4 = scf.for %scan3A_393 = %scan3A_115 to %scan3A_117 step %scan3A_118 iter_args(%scan3A_394 = %broadcast_in_dim3A_106, %scan3A_395 = %iota3A, %scan3A_396 = %broadcast_in_dim3A_106, %scan3A_397 = %add3A_109) -> (vector<16xf32>, vector<16xi32>, vector<16xf32>, vector<16xi32>)  : i32 {
      %mul3A_398 = arith.constant 32 : i32
      %mul3A_399 = arith.muli %scan3A_393, %mul3A_398 : i32
      %add3A_400 = arith.constant 0 : i32
      %add3A_401 = arith.addi %add3A_400, %mul3A_399 : i32
      %add3A_402 = vector.broadcast %add3A_401 : i32 to vector<16xi32>
      %add3A_403 = arith.addi %add3A_402, %iota3A : vector<16xi32>
      %mul3A_404 = arith.constant 32 : i32
      %mul3A_405 = arith.muli %scan3A_393, %mul3A_404 : i32
      %get3A = arith.index_cast %mul3A_405 : i32 to index
      %get3A_406 = tpu.vector_load %arg4[%get3A] {strides = array<i32>} : memref<4096xf32, #tpu.memory_space<vmem>>, vector<16xf32>,
      %get3A_407 = vector.shape_cast %get3A_406 : vector<16xf32> to vector<16xf32>
      %mul3A_408 = arith.constant 32 : i32
      %mul3A_409 = arith.muli %scan3A_393, %mul3A_408 : i32
      %add3A_410 = arith.constant 16 : i32
      %add3A_411 = arith.addi %mul3A_409, %add3A_410 : i32
      %get3A_412 = arith.index_cast %add3A_411 : i32 to index
      %get3A_413 = tpu.vector_load %arg4[%get3A_412] {strides = array<i32>} : memref<4096xf32, #tpu.memory_space<vmem>>, vector<16xf32>,
      %get3A_414 = vector.shape_cast %get3A_413 : vector<16xf32> to vector<16xf32>
      %gt3A_415 = arith.cmpf ogt, %get3A_407, %scan3A_394 : vector<16xf32>
      %gt3A_416 = arith.cmpf ogt, %get3A_414, %scan3A_396 : vector<16xf32>
      %select_n3A_417 = arith.select %gt3A_415, %get3A_407, %scan3A_394 : vector<16xi1>, vector<16xf32>
      %select_n3A_418 = arith.select %gt3A_415, %add3A_403, %scan3A_395 : vector<16xi1>, vector<16xi32>
      %select_n3A_419 = arith.select %gt3A_416, %get3A_414, %scan3A_396 : vector<16xi1>, vector<16xf32>
      %add3A_420 = arith.constant 16 : i32
      %add3A_421 = vector.broadcast %add3A_420 : i32 to vector<16xi32>
      %add3A_422 = arith.addi %add3A_403, %add3A_421 : vector<16xi32>
      %select_n3A_423 = arith.select %gt3A_416, %add3A_422, %scan3A_397 : vector<16xi1>, vector<16xi32>
      %scan3A_424 = arith.constant 1 : i32
      %scan3A_425 = arith.addi %scan3A_393, %scan3A_424 : i32
      %mul3A_426 = arith.constant 32 : i32
      %mul3A_427 = arith.muli %scan3A_425, %mul3A_426 : i32
      %add3A_428 = arith.constant 0 : i32
      %add3A_429 = arith.addi %add3A_428, %mul3A_427 : i32
      %add3A_430 = vector.broadcast %add3A_429 : i32 to vector<16xi32>
      %add3A_431 = arith.addi %add3A_430, %iota3A : vector<16xi32>
      %mul3A_432 = arith.constant 32 : i32
      %mul3A_433 = arith.muli %scan3A_425, %mul3A_432 : i32
      %get3A_434 = arith.index_cast %mul3A_433 : i32 to index
      %get3A_435 = tpu.vector_load %arg4[%get3A_434] {strides = array<i32>} : memref<4096xf32, #tpu.memory_space<vmem>>, vector<16xf32>,
      %get3A_436 = vector.shape_cast %get3A_435 : vector<16xf32> to vector<16xf32>
      %mul3A_437 = arith.constant 32 : i32
      %mul3A_438 = arith.muli %scan3A_425, %mul3A_437 : i32
      %add3A_439 = arith.constant 16 : i32
      %add3A_440 = arith.addi %mul3A_438, %add3A_439 : i32
      %get3A_441 = arith.index_cast %add3A_440 : i32 to index
      %get3A_442 = tpu.vector_load %arg4[%get3A_441] {strides = array<i32>} : memref<4096xf32, #tpu.memory_space<vmem>>, vector<16xf32>,
      %get3A_443 = vector.shape_cast %get3A_442 : vector<16xf32> to vector<16xf32>
      %gt3A_444 = arith.cmpf ogt, %get3A_436, %select_n3A_417 : vector<16xf32>
      %gt3A_445 = arith.cmpf ogt, %get3A_443, %select_n3A_419 : vector<16xf32>
      %select_n3A_446 = arith.select %gt3A_444, %get3A_436, %select_n3A_417 : vector<16xi1>, vector<16xf32>
      %select_n3A_447 = arith.select %gt3A_444, %add3A_431, %select_n3A_418 : vector<16xi1>, vector<16xi32>
      %select_n3A_448 = arith.select %gt3A_445, %get3A_443, %select_n3A_419 : vector<16xi1>, vector<16xf32>
      %add3A_449 = arith.constant 16 : i32
      %add3A_450 = vector.broadcast %add3A_449 : i32 to vector<16xi32>
      %add3A_451 = arith.addi %add3A_431, %add3A_450 : vector<16xi32>
      %select_n3A_452 = arith.select %gt3A_445, %add3A_451, %select_n3A_423 : vector<16xi1>, vector<16xi32>
      %scan3A_453 = arith.constant 2 : i32
      %scan3A_454 = arith.addi %scan3A_393, %scan3A_453 : i32
      %mul3A_455 = arith.constant 32 : i32
      %mul3A_456 = arith.muli %scan3A_454, %mul3A_455 : i32
      %add3A_457 = arith.constant 0 : i32
      %add3A_458 = arith.addi %add3A_457, %mul3A_456 : i32
      %add3A_459 = vector.broadcast %add3A_458 : i32 to vector<16xi32>
      %add3A_460 = arith.addi %add3A_459, %iota3A : vector<16xi32>
      %mul3A_461 = arith.constant 32 : i32
      %mul3A_462 = arith.muli %scan3A_454, %mul3A_461 : i32
      %get3A_463 = arith.index_cast %mul3A_462 : i32 to index
      %get3A_464 = tpu.vector_load %arg4[%get3A_463] {strides = array<i32>} : memref<4096xf32, #tpu.memory_space<vmem>>, vector<16xf32>,
      %get3A_465 = vector.shape_cast %get3A_464 : vector<16xf32> to vector<16xf32>
      %mul3A_466 = arith.constant 32 : i32
      %mul3A_467 = arith.muli %scan3A_454, %mul3A_466 : i32
      %add3A_468 = arith.constant 16 : i32
      %add3A_469 = arith.addi %mul3A_467, %add3A_468 : i32
      %get3A_470 = arith.index_cast %add3A_469 : i32 to index
      %get3A_471 = tpu.vector_load %arg4[%get3A_470] {strides = array<i32>} : memref<4096xf32, #tpu.memory_space<vmem>>, vector<16xf32>,
      %get3A_472 = vector.shape_cast %get3A_471 : vector<16xf32> to vector<16xf32>
      %gt3A_473 = arith.cmpf ogt, %get3A_465, %select_n3A_446 : vector<16xf32>
      %gt3A_474 = arith.cmpf ogt, %get3A_472, %select_n3A_448 : vector<16xf32>
      %select_n3A_475 = arith.select %gt3A_473, %get3A_465, %select_n3A_446 : vector<16xi1>, vector<16xf32>
      %select_n3A_476 = arith.select %gt3A_473, %add3A_460, %select_n3A_447 : vector<16xi1>, vector<16xi32>
      %select_n3A_477 = arith.select %gt3A_474, %get3A_472, %select_n3A_448 : vector<16xi1>, vector<16xf32>
      %add3A_478 = arith.constant 16 : i32
      %add3A_479 = vector.broadcast %add3A_478 : i32 to vector<16xi32>
      %add3A_480 = arith.addi %add3A_460, %add3A_479 : vector<16xi32>
      %select_n3A_481 = arith.select %gt3A_474, %add3A_480, %select_n3A_452 : vector<16xi1>, vector<16xi32>
      %scan3A_482 = arith.constant 3 : i32
      %scan3A_483 = arith.addi %scan3A_393, %scan3A_482 : i32
      %mul3A_484 = arith.constant 32 : i32
      %mul3A_485 = arith.muli %scan3A_483, %mul3A_484 : i32
      %add3A_486 = arith.constant 0 : i32
      %add3A_487 = arith.addi %add3A_486, %mul3A_485 : i32
      %add3A_488 = vector.broadcast %add3A_487 : i32 to vector<16xi32>
      %add3A_489 = arith.addi %add3A_488, %iota3A : vector<16xi32>
      %mul3A_490 = arith.constant 32 : i32
      %mul3A_491 = arith.muli %scan3A_483, %mul3A_490 : i32
      %get3A_492 = arith.index_cast %mul3A_491 : i32 to index
      %get3A_493 = tpu.vector_load %arg4[%get3A_492] {strides = array<i32>} : memref<4096xf32, #tpu.memory_space<vmem>>, vector<16xf32>,
      %get3A_494 = vector.shape_cast %get3A_493 : vector<16xf32> to vector<16xf32>
      %mul3A_495 = arith.constant 32 : i32
      %mul3A_496 = arith.muli %scan3A_483, %mul3A_495 : i32
      %add3A_497 = arith.constant 16 : i32
      %add3A_498 = arith.addi %mul3A_496, %add3A_497 : i32
      %get3A_499 = arith.index_cast %add3A_498 : i32 to index
      %get3A_500 = tpu.vector_load %arg4[%get3A_499] {strides = array<i32>} : memref<4096xf32, #tpu.memory_space<vmem>>, vector<16xf32>,
      %get3A_501 = vector.shape_cast %get3A_500 : vector<16xf32> to vector<16xf32>
      %gt3A_502 = arith.cmpf ogt, %get3A_494, %select_n3A_475 : vector<16xf32>
      %gt3A_503 = arith.cmpf ogt, %get3A_501, %select_n3A_477 : vector<16xf32>
      %select_n3A_504 = arith.select %gt3A_502, %get3A_494, %select_n3A_475 : vector<16xi1>, vector<16xf32>
      %select_n3A_505 = arith.select %gt3A_502, %add3A_489, %select_n3A_476 : vector<16xi1>, vector<16xi32>
      %select_n3A_506 = arith.select %gt3A_503, %get3A_501, %select_n3A_477 : vector<16xi1>, vector<16xf32>
      %add3A_507 = arith.constant 16 : i32
      %add3A_508 = vector.broadcast %add3A_507 : i32 to vector<16xi32>
      %add3A_509 = arith.addi %add3A_489, %add3A_508 : vector<16xi32>
      %select_n3A_510 = arith.select %gt3A_503, %add3A_509, %select_n3A_481 : vector<16xi1>, vector<16xi32>
      scf.yield %select_n3A_504, %select_n3A_505, %select_n3A_506, %select_n3A_510 : vector<16xf32>, vector<16xi32>, vector<16xf32>, vector<16xi32>
    }
    %scan3A_120 = arith.constant 128 : i32
    %dma_wait3A_121 = arith.constant 4096 : i32
    %dma_wait3A_122 = tpu.memref_slice %arg2[%add3A_2, %dma_wait3A_121] : memref<128x32768xf32, #tpu.memory_space<hbm>> -> memref<1x4096xf32, #tpu.memory_space<hbm>>
    %dma_wait3A_123 = tpu.memref_squeeze %dma_wait3A_122 : memref<1x4096xf32, #tpu.memory_space<hbm>> -> memref<4096xf32, #tpu.memory_space<hbm>>
    %dma_wait3A_124 = arith.constant 4096 : i32
    %dma_wait3A_125 = tpu.memref_slice %arg2[%add3A_2, %dma_wait3A_124] : memref<128x32768xf32, #tpu.memory_space<hbm>> -> memref<1x4096xf32, #tpu.memory_space<hbm>>
    %dma_wait3A_126 = tpu.memref_squeeze %dma_wait3A_125 : memref<1x4096xf32, #tpu.memory_space<hbm>> -> memref<4096xf32, #tpu.memory_space<hbm>>
    tpu.wait_dma2 semaphore(%arg15 : memref<!tpu.dma_semaphore, #tpu.memory_space<semaphore_mem>>) src(%dma_wait3A_126 : memref<4096xf32, #tpu.memory_space<hbm>>) dst(%arg5 : memref<4096xf32, #tpu.memory_space<vmem>>)
    %scan3A_127 = arith.constant 0 : i32
    %scan3A_128 = arith.constant 128 : i32
    %scan3A_129 = arith.addi %scan3A_127, %scan3A_128 : i32
    %scan3A_130 = arith.constant 4 : i32
    %scan3A_131:4 = scf.for %scan3A_393 = %scan3A_127 to %scan3A_129 step %scan3A_130 iter_args(%scan3A_394 = %scan3A_119#0, %scan3A_395 = %scan3A_119#1, %scan3A_396 = %scan3A_119#2, %scan3A_397 = %scan3A_119#3) -> (vector<16xf32>, vector<16xi32>, vector<16xf32>, vector<16xi32>)  : i32 {
      %mul3A_398 = arith.constant 32 : i32
      %mul3A_399 = arith.muli %scan3A_393, %mul3A_398 : i32
      %add3A_400 = arith.constant 4096 : i32
      %add3A_401 = arith.addi %add3A_400, %mul3A_399 : i32
      %add3A_402 = vector.broadcast %add3A_401 : i32 to vector<16xi32>
      %add3A_403 = arith.addi %add3A_402, %iota3A : vector<16xi32>
      %mul3A_404 = arith.constant 32 : i32
      %mul3A_405 = arith.muli %scan3A_393, %mul3A_404 : i32
      %get3A = arith.index_cast %mul3A_405 : i32 to index
      %get3A_406 = tpu.vector_load %arg5[%get3A] {strides = array<i32>} : memref<4096xf32, #tpu.memory_space<vmem>>, vector<16xf32>,
      %get3A_407 = vector.shape_cast %get3A_406 : vector<16xf32> to vector<16xf32>
      %mul3A_408 = arith.constant 32 : i32
      %mul3A_409 = arith.muli %scan3A_393, %mul3A_408 : i32
      %add3A_410 = arith.constant 16 : i32
      %add3A_411 = arith.addi %mul3A_409, %add3A_410 : i32
      %get3A_412 = arith.index_cast %add3A_411 : i32 to index
      %get3A_413 = tpu.vector_load %arg5[%get3A_412] {strides = array<i32>} : memref<4096xf32, #tpu.memory_space<vmem>>, vector<16xf32>,
      %get3A_414 = vector.shape_cast %get3A_413 : vector<16xf32> to vector<16xf32>
      %gt3A_415 = arith.cmpf ogt, %get3A_407, %scan3A_394 : vector<16xf32>
      %gt3A_416 = arith.cmpf ogt, %get3A_414, %scan3A_396 : vector<16xf32>
      %select_n3A_417 = arith.select %gt3A_415, %get3A_407, %scan3A_394 : vector<16xi1>, vector<16xf32>
      %select_n3A_418 = arith.select %gt3A_415, %add3A_403, %scan3A_395 : vector<16xi1>, vector<16xi32>
      %select_n3A_419 = arith.select %gt3A_416, %get3A_414, %scan3A_396 : vector<16xi1>, vector<16xf32>
      %add3A_420 = arith.constant 16 : i32
      %add3A_421 = vector.broadcast %add3A_420 : i32 to vector<16xi32>
      %add3A_422 = arith.addi %add3A_403, %add3A_421 : vector<16xi32>
      %select_n3A_423 = arith.select %gt3A_416, %add3A_422, %scan3A_397 : vector<16xi1>, vector<16xi32>
      %scan3A_424 = arith.constant 1 : i32
      %scan3A_425 = arith.addi %scan3A_393, %scan3A_424 : i32
      %mul3A_426 = arith.constant 32 : i32
      %mul3A_427 = arith.muli %scan3A_425, %mul3A_426 : i32
      %add3A_428 = arith.constant 4096 : i32
      %add3A_429 = arith.addi %add3A_428, %mul3A_427 : i32
      %add3A_430 = vector.broadcast %add3A_429 : i32 to vector<16xi32>
      %add3A_431 = arith.addi %add3A_430, %iota3A : vector<16xi32>
      %mul3A_432 = arith.constant 32 : i32
      %mul3A_433 = arith.muli %scan3A_425, %mul3A_432 : i32
      %get3A_434 = arith.index_cast %mul3A_433 : i32 to index
      %get3A_435 = tpu.vector_load %arg5[%get3A_434] {strides = array<i32>} : memref<4096xf32, #tpu.memory_space<vmem>>, vector<16xf32>,
      %get3A_436 = vector.shape_cast %get3A_435 : vector<16xf32> to vector<16xf32>
      %mul3A_437 = arith.constant 32 : i32
      %mul3A_438 = arith.muli %scan3A_425, %mul3A_437 : i32
      %add3A_439 = arith.constant 16 : i32
      %add3A_440 = arith.addi %mul3A_438, %add3A_439 : i32
      %get3A_441 = arith.index_cast %add3A_440 : i32 to index
      %get3A_442 = tpu.vector_load %arg5[%get3A_441] {strides = array<i32>} : memref<4096xf32, #tpu.memory_space<vmem>>, vector<16xf32>,
      %get3A_443 = vector.shape_cast %get3A_442 : vector<16xf32> to vector<16xf32>
      %gt3A_444 = arith.cmpf ogt, %get3A_436, %select_n3A_417 : vector<16xf32>
      %gt3A_445 = arith.cmpf ogt, %get3A_443, %select_n3A_419 : vector<16xf32>
      %select_n3A_446 = arith.select %gt3A_444, %get3A_436, %select_n3A_417 : vector<16xi1>, vector<16xf32>
      %select_n3A_447 = arith.select %gt3A_444, %add3A_431, %select_n3A_418 : vector<16xi1>, vector<16xi32>
      %select_n3A_448 = arith.select %gt3A_445, %get3A_443, %select_n3A_419 : vector<16xi1>, vector<16xf32>
      %add3A_449 = arith.constant 16 : i32
      %add3A_450 = vector.broadcast %add3A_449 : i32 to vector<16xi32>
      %add3A_451 = arith.addi %add3A_431, %add3A_450 : vector<16xi32>
      %select_n3A_452 = arith.select %gt3A_445, %add3A_451, %select_n3A_423 : vector<16xi1>, vector<16xi32>
      %scan3A_453 = arith.constant 2 : i32
      %scan3A_454 = arith.addi %scan3A_393, %scan3A_453 : i32
      %mul3A_455 = arith.constant 32 : i32
      %mul3A_456 = arith.muli %scan3A_454, %mul3A_455 : i32
      %add3A_457 = arith.constant 4096 : i32
      %add3A_458 = arith.addi %add3A_457, %mul3A_456 : i32
      %add3A_459 = vector.broadcast %add3A_458 : i32 to vector<16xi32>
      %add3A_460 = arith.addi %add3A_459, %iota3A : vector<16xi32>
      %mul3A_461 = arith.constant 32 : i32
      %mul3A_462 = arith.muli %scan3A_454, %mul3A_461 : i32
      %get3A_463 = arith.index_cast %mul3A_462 : i32 to index
      %get3A_464 = tpu.vector_load %arg5[%get3A_463] {strides = array<i32>} : memref<4096xf32, #tpu.memory_space<vmem>>, vector<16xf32>,
      %get3A_465 = vector.shape_cast %get3A_464 : vector<16xf32> to vector<16xf32>
      %mul3A_466 = arith.constant 32 : i32
      %mul3A_467 = arith.muli %scan3A_454, %mul3A_466 : i32
      %add3A_468 = arith.constant 16 : i32
      %add3A_469 = arith.addi %mul3A_467, %add3A_468 : i32
      %get3A_470 = arith.index_cast %add3A_469 : i32 to index
      %get3A_471 = tpu.vector_load %arg5[%get3A_470] {strides = array<i32>} : memref<4096xf32, #tpu.memory_space<vmem>>, vector<16xf32>,
      %get3A_472 = vector.shape_cast %get3A_471 : vector<16xf32> to vector<16xf32>
      %gt3A_473 = arith.cmpf ogt, %get3A_465, %select_n3A_446 : vector<16xf32>
      %gt3A_474 = arith.cmpf ogt, %get3A_472, %select_n3A_448 : vector<16xf32>
      %select_n3A_475 = arith.select %gt3A_473, %get3A_465, %select_n3A_446 : vector<16xi1>, vector<16xf32>
      %select_n3A_476 = arith.select %gt3A_473, %add3A_460, %select_n3A_447 : vector<16xi1>, vector<16xi32>
      %select_n3A_477 = arith.select %gt3A_474, %get3A_472, %select_n3A_448 : vector<16xi1>, vector<16xf32>
      %add3A_478 = arith.constant 16 : i32
      %add3A_479 = vector.broadcast %add3A_478 : i32 to vector<16xi32>
      %add3A_480 = arith.addi %add3A_460, %add3A_479 : vector<16xi32>
      %select_n3A_481 = arith.select %gt3A_474, %add3A_480, %select_n3A_452 : vector<16xi1>, vector<16xi32>
      %scan3A_482 = arith.constant 3 : i32
      %scan3A_483 = arith.addi %scan3A_393, %scan3A_482 : i32
      %mul3A_484 = arith.constant 32 : i32
      %mul3A_485 = arith.muli %scan3A_483, %mul3A_484 : i32
      %add3A_486 = arith.constant 4096 : i32
      %add3A_487 = arith.addi %add3A_486, %mul3A_485 : i32
      %add3A_488 = vector.broadcast %add3A_487 : i32 to vector<16xi32>
      %add3A_489 = arith.addi %add3A_488, %iota3A : vector<16xi32>
      %mul3A_490 = arith.constant 32 : i32
      %mul3A_491 = arith.muli %scan3A_483, %mul3A_490 : i32
      %get3A_492 = arith.index_cast %mul3A_491 : i32 to index
      %get3A_493 = tpu.vector_load %arg5[%get3A_492] {strides = array<i32>} : memref<4096xf32, #tpu.memory_space<vmem>>, vector<16xf32>,
      %get3A_494 = vector.shape_cast %get3A_493 : vector<16xf32> to vector<16xf32>
      %mul3A_495 = arith.constant 32 : i32
      %mul3A_496 = arith.muli %scan3A_483, %mul3A_495 : i32
      %add3A_497 = arith.constant 16 : i32
      %add3A_498 = arith.addi %mul3A_496, %add3A_497 : i32
      %get3A_499 = arith.index_cast %add3A_498 : i32 to index
      %get3A_500 = tpu.vector_load %arg5[%get3A_499] {strides = array<i32>} : memref<4096xf32, #tpu.memory_space<vmem>>, vector<16xf32>,
      %get3A_501 = vector.shape_cast %get3A_500 : vector<16xf32> to vector<16xf32>
      %gt3A_502 = arith.cmpf ogt, %get3A_494, %select_n3A_475 : vector<16xf32>
      %gt3A_503 = arith.cmpf ogt, %get3A_501, %select_n3A_477 : vector<16xf32>
      %select_n3A_504 = arith.select %gt3A_502, %get3A_494, %select_n3A_475 : vector<16xi1>, vector<16xf32>
      %select_n3A_505 = arith.select %gt3A_502, %add3A_489, %select_n3A_476 : vector<16xi1>, vector<16xi32>
      %select_n3A_506 = arith.select %gt3A_503, %get3A_501, %select_n3A_477 : vector<16xi1>, vector<16xf32>
      %add3A_507 = arith.constant 16 : i32
      %add3A_508 = vector.broadcast %add3A_507 : i32 to vector<16xi32>
      %add3A_509 = arith.addi %add3A_489, %add3A_508 : vector<16xi32>
      %select_n3A_510 = arith.select %gt3A_503, %add3A_509, %select_n3A_481 : vector<16xi1>, vector<16xi32>
      scf.yield %select_n3A_504, %select_n3A_505, %select_n3A_506, %select_n3A_510 : vector<16xf32>, vector<16xi32>, vector<16xf32>, vector<16xi32>
    }
    %scan3A_132 = arith.constant 128 : i32
    %dma_wait3A_133 = arith.constant 8192 : i32
    %dma_wait3A_134 = tpu.memref_slice %arg2[%add3A_2, %dma_wait3A_133] : memref<128x32768xf32, #tpu.memory_space<hbm>> -> memref<1x4096xf32, #tpu.memory_space<hbm>>
    %dma_wait3A_135 = tpu.memref_squeeze %dma_wait3A_134 : memref<1x4096xf32, #tpu.memory_space<hbm>> -> memref<4096xf32, #tpu.memory_space<hbm>>
    %dma_wait3A_136 = arith.constant 8192 : i32
    %dma_wait3A_137 = tpu.memref_slice %arg2[%add3A_2, %dma_wait3A_136] : memref<128x32768xf32, #tpu.memory_space<hbm>> -> memref<1x4096xf32, #tpu.memory_space<hbm>>
    %dma_wait3A_138 = tpu.memref_squeeze %dma_wait3A_137 : memref<1x4096xf32, #tpu.memory_space<hbm>> -> memref<4096xf32, #tpu.memory_space<hbm>>
    tpu.wait_dma2 semaphore(%arg16 : memref<!tpu.dma_semaphore, #tpu.memory_space<semaphore_mem>>) src(%dma_wait3A_138 : memref<4096xf32, #tpu.memory_space<hbm>>) dst(%arg6 : memref<4096xf32, #tpu.memory_space<vmem>>)
    %scan3A_139 = arith.constant 0 : i32
    %scan3A_140 = arith.constant 128 : i32
    %scan3A_141 = arith.addi %scan3A_139, %scan3A_140 : i32
    %scan3A_142 = arith.constant 4 : i32
    %scan3A_143:4 = scf.for %scan3A_393 = %scan3A_139 to %scan3A_141 step %scan3A_142 iter_args(%scan3A_394 = %scan3A_131#0, %scan3A_395 = %scan3A_131#1, %scan3A_396 = %scan3A_131#2, %scan3A_397 = %scan3A_131#3) -> (vector<16xf32>, vector<16xi32>, vector<16xf32>, vector<16xi32>)  : i32 {
      %mul3A_398 = arith.constant 32 : i32
      %mul3A_399 = arith.muli %scan3A_393, %mul3A_398 : i32
      %add3A_400 = arith.constant 8192 : i32
      %add3A_401 = arith.addi %add3A_400, %mul3A_399 : i32
      %add3A_402 = vector.broadcast %add3A_401 : i32 to vector<16xi32>
      %add3A_403 = arith.addi %add3A_402, %iota3A : vector<16xi32>
      %mul3A_404 = arith.constant 32 : i32
      %mul3A_405 = arith.muli %scan3A_393, %mul3A_404 : i32
      %get3A = arith.index_cast %mul3A_405 : i32 to index
      %get3A_406 = tpu.vector_load %arg6[%get3A] {strides = array<i32>} : memref<4096xf32, #tpu.memory_space<vmem>>, vector<16xf32>,
      %get3A_407 = vector.shape_cast %get3A_406 : vector<16xf32> to vector<16xf32>
      %mul3A_408 = arith.constant 32 : i32
      %mul3A_409 = arith.muli %scan3A_393, %mul3A_408 : i32
      %add3A_410 = arith.constant 16 : i32
      %add3A_411 = arith.addi %mul3A_409, %add3A_410 : i32
      %get3A_412 = arith.index_cast %add3A_411 : i32 to index
      %get3A_413 = tpu.vector_load %arg6[%get3A_412] {strides = array<i32>} : memref<4096xf32, #tpu.memory_space<vmem>>, vector<16xf32>,
      %get3A_414 = vector.shape_cast %get3A_413 : vector<16xf32> to vector<16xf32>
      %gt3A_415 = arith.cmpf ogt, %get3A_407, %scan3A_394 : vector<16xf32>
      %gt3A_416 = arith.cmpf ogt, %get3A_414, %scan3A_396 : vector<16xf32>
      %select_n3A_417 = arith.select %gt3A_415, %get3A_407, %scan3A_394 : vector<16xi1>, vector<16xf32>
      %select_n3A_418 = arith.select %gt3A_415, %add3A_403, %scan3A_395 : vector<16xi1>, vector<16xi32>
      %select_n3A_419 = arith.select %gt3A_416, %get3A_414, %scan3A_396 : vector<16xi1>, vector<16xf32>
      %add3A_420 = arith.constant 16 : i32
      %add3A_421 = vector.broadcast %add3A_420 : i32 to vector<16xi32>
      %add3A_422 = arith.addi %add3A_403, %add3A_421 : vector<16xi32>
      %select_n3A_423 = arith.select %gt3A_416, %add3A_422, %scan3A_397 : vector<16xi1>, vector<16xi32>
      %scan3A_424 = arith.constant 1 : i32
      %scan3A_425 = arith.addi %scan3A_393, %scan3A_424 : i32
      %mul3A_426 = arith.constant 32 : i32
      %mul3A_427 = arith.muli %scan3A_425, %mul3A_426 : i32
      %add3A_428 = arith.constant 8192 : i32
      %add3A_429 = arith.addi %add3A_428, %mul3A_427 : i32
      %add3A_430 = vector.broadcast %add3A_429 : i32 to vector<16xi32>
      %add3A_431 = arith.addi %add3A_430, %iota3A : vector<16xi32>
      %mul3A_432 = arith.constant 32 : i32
      %mul3A_433 = arith.muli %scan3A_425, %mul3A_432 : i32
      %get3A_434 = arith.index_cast %mul3A_433 : i32 to index
      %get3A_435 = tpu.vector_load %arg6[%get3A_434] {strides = array<i32>} : memref<4096xf32, #tpu.memory_space<vmem>>, vector<16xf32>,
      %get3A_436 = vector.shape_cast %get3A_435 : vector<16xf32> to vector<16xf32>
      %mul3A_437 = arith.constant 32 : i32
      %mul3A_438 = arith.muli %scan3A_425, %mul3A_437 : i32
      %add3A_439 = arith.constant 16 : i32
      %add3A_440 = arith.addi %mul3A_438, %add3A_439 : i32
      %get3A_441 = arith.index_cast %add3A_440 : i32 to index
      %get3A_442 = tpu.vector_load %arg6[%get3A_441] {strides = array<i32>} : memref<4096xf32, #tpu.memory_space<vmem>>, vector<16xf32>,
      %get3A_443 = vector.shape_cast %get3A_442 : vector<16xf32> to vector<16xf32>
      %gt3A_444 = arith.cmpf ogt, %get3A_436, %select_n3A_417 : vector<16xf32>
      %gt3A_445 = arith.cmpf ogt, %get3A_443, %select_n3A_419 : vector<16xf32>
      %select_n3A_446 = arith.select %gt3A_444, %get3A_436, %select_n3A_417 : vector<16xi1>, vector<16xf32>
      %select_n3A_447 = arith.select %gt3A_444, %add3A_431, %select_n3A_418 : vector<16xi1>, vector<16xi32>
      %select_n3A_448 = arith.select %gt3A_445, %get3A_443, %select_n3A_419 : vector<16xi1>, vector<16xf32>
      %add3A_449 = arith.constant 16 : i32
      %add3A_450 = vector.broadcast %add3A_449 : i32 to vector<16xi32>
      %add3A_451 = arith.addi %add3A_431, %add3A_450 : vector<16xi32>
      %select_n3A_452 = arith.select %gt3A_445, %add3A_451, %select_n3A_423 : vector<16xi1>, vector<16xi32>
      %scan3A_453 = arith.constant 2 : i32
      %scan3A_454 = arith.addi %scan3A_393, %scan3A_453 : i32
      %mul3A_455 = arith.constant 32 : i32
      %mul3A_456 = arith.muli %scan3A_454, %mul3A_455 : i32
      %add3A_457 = arith.constant 8192 : i32
      %add3A_458 = arith.addi %add3A_457, %mul3A_456 : i32
      %add3A_459 = vector.broadcast %add3A_458 : i32 to vector<16xi32>
      %add3A_460 = arith.addi %add3A_459, %iota3A : vector<16xi32>
      %mul3A_461 = arith.constant 32 : i32
      %mul3A_462 = arith.muli %scan3A_454, %mul3A_461 : i32
      %get3A_463 = arith.index_cast %mul3A_462 : i32 to index
      %get3A_464 = tpu.vector_load %arg6[%get3A_463] {strides = array<i32>} : memref<4096xf32, #tpu.memory_space<vmem>>, vector<16xf32>,
      %get3A_465 = vector.shape_cast %get3A_464 : vector<16xf32> to vector<16xf32>
      %mul3A_466 = arith.constant 32 : i32
      %mul3A_467 = arith.muli %scan3A_454, %mul3A_466 : i32
      %add3A_468 = arith.constant 16 : i32
      %add3A_469 = arith.addi %mul3A_467, %add3A_468 : i32
      %get3A_470 = arith.index_cast %add3A_469 : i32 to index
      %get3A_471 = tpu.vector_load %arg6[%get3A_470] {strides = array<i32>} : memref<4096xf32, #tpu.memory_space<vmem>>, vector<16xf32>,
      %get3A_472 = vector.shape_cast %get3A_471 : vector<16xf32> to vector<16xf32>
      %gt3A_473 = arith.cmpf ogt, %get3A_465, %select_n3A_446 : vector<16xf32>
      %gt3A_474 = arith.cmpf ogt, %get3A_472, %select_n3A_448 : vector<16xf32>
      %select_n3A_475 = arith.select %gt3A_473, %get3A_465, %select_n3A_446 : vector<16xi1>, vector<16xf32>
      %select_n3A_476 = arith.select %gt3A_473, %add3A_460, %select_n3A_447 : vector<16xi1>, vector<16xi32>
      %select_n3A_477 = arith.select %gt3A_474, %get3A_472, %select_n3A_448 : vector<16xi1>, vector<16xf32>
      %add3A_478 = arith.constant 16 : i32
      %add3A_479 = vector.broadcast %add3A_478 : i32 to vector<16xi32>
      %add3A_480 = arith.addi %add3A_460, %add3A_479 : vector<16xi32>
      %select_n3A_481 = arith.select %gt3A_474, %add3A_480, %select_n3A_452 : vector<16xi1>, vector<16xi32>
      %scan3A_482 = arith.constant 3 : i32
      %scan3A_483 = arith.addi %scan3A_393, %scan3A_482 : i32
      %mul3A_484 = arith.constant 32 : i32
      %mul3A_485 = arith.muli %scan3A_483, %mul3A_484 : i32
      %add3A_486 = arith.constant 8192 : i32
      %add3A_487 = arith.addi %add3A_486, %mul3A_485 : i32
      %add3A_488 = vector.broadcast %add3A_487 : i32 to vector<16xi32>
      %add3A_489 = arith.addi %add3A_488, %iota3A : vector<16xi32>
      %mul3A_490 = arith.constant 32 : i32
      %mul3A_491 = arith.muli %scan3A_483, %mul3A_490 : i32
      %get3A_492 = arith.index_cast %mul3A_491 : i32 to index
      %get3A_493 = tpu.vector_load %arg6[%get3A_492] {strides = array<i32>} : memref<4096xf32, #tpu.memory_space<vmem>>, vector<16xf32>,
      %get3A_494 = vector.shape_cast %get3A_493 : vector<16xf32> to vector<16xf32>
      %mul3A_495 = arith.constant 32 : i32
      %mul3A_496 = arith.muli %scan3A_483, %mul3A_495 : i32
      %add3A_497 = arith.constant 16 : i32
      %add3A_498 = arith.addi %mul3A_496, %add3A_497 : i32
      %get3A_499 = arith.index_cast %add3A_498 : i32 to index
      %get3A_500 = tpu.vector_load %arg6[%get3A_499] {strides = array<i32>} : memref<4096xf32, #tpu.memory_space<vmem>>, vector<16xf32>,
      %get3A_501 = vector.shape_cast %get3A_500 : vector<16xf32> to vector<16xf32>
      %gt3A_502 = arith.cmpf ogt, %get3A_494, %select_n3A_475 : vector<16xf32>
      %gt3A_503 = arith.cmpf ogt, %get3A_501, %select_n3A_477 : vector<16xf32>
      %select_n3A_504 = arith.select %gt3A_502, %get3A_494, %select_n3A_475 : vector<16xi1>, vector<16xf32>
      %select_n3A_505 = arith.select %gt3A_502, %add3A_489, %select_n3A_476 : vector<16xi1>, vector<16xi32>
      %select_n3A_506 = arith.select %gt3A_503, %get3A_501, %select_n3A_477 : vector<16xi1>, vector<16xf32>
      %add3A_507 = arith.constant 16 : i32
      %add3A_508 = vector.broadcast %add3A_507 : i32 to vector<16xi32>
      %add3A_509 = arith.addi %add3A_489, %add3A_508 : vector<16xi32>
      %select_n3A_510 = arith.select %gt3A_503, %add3A_509, %select_n3A_481 : vector<16xi1>, vector<16xi32>
      scf.yield %select_n3A_504, %select_n3A_505, %select_n3A_506, %select_n3A_510 : vector<16xf32>, vector<16xi32>, vector<16xf32>, vector<16xi32>
    }
    %scan3A_144 = arith.constant 128 : i32
    %dma_wait3A_145 = arith.constant 12288 : i32
    %dma_wait3A_146 = tpu.memref_slice %arg2[%add3A_2, %dma_wait3A_145] : memref<128x32768xf32, #tpu.memory_space<hbm>> -> memref<1x4096xf32, #tpu.memory_space<hbm>>
    %dma_wait3A_147 = tpu.memref_squeeze %dma_wait3A_146 : memref<1x4096xf32, #tpu.memory_space<hbm>> -> memref<4096xf32, #tpu.memory_space<hbm>>
    %dma_wait3A_148 = arith.constant 12288 : i32
    %dma_wait3A_149 = tpu.memref_slice %arg2[%add3A_2, %dma_wait3A_148] : memref<128x32768xf32, #tpu.memory_space<hbm>> -> memref<1x4096xf32, #tpu.memory_space<hbm>>
    %dma_wait3A_150 = tpu.memref_squeeze %dma_wait3A_149 : memref<1x4096xf32, #tpu.memory_space<hbm>> -> memref<4096xf32, #tpu.memory_space<hbm>>
    tpu.wait_dma2 semaphore(%arg17 : memref<!tpu.dma_semaphore, #tpu.memory_space<semaphore_mem>>) src(%dma_wait3A_150 : memref<4096xf32, #tpu.memory_space<hbm>>) dst(%arg7 : memref<4096xf32, #tpu.memory_space<vmem>>)
    %scan3A_151 = arith.constant 0 : i32
    %scan3A_152 = arith.constant 128 : i32
    %scan3A_153 = arith.addi %scan3A_151, %scan3A_152 : i32
    %scan3A_154 = arith.constant 4 : i32
    %scan3A_155:4 = scf.for %scan3A_393 = %scan3A_151 to %scan3A_153 step %scan3A_154 iter_args(%scan3A_394 = %scan3A_143#0, %scan3A_395 = %scan3A_143#1, %scan3A_396 = %scan3A_143#2, %scan3A_397 = %scan3A_143#3) -> (vector<16xf32>, vector<16xi32>, vector<16xf32>, vector<16xi32>)  : i32 {
      %mul3A_398 = arith.constant 32 : i32
      %mul3A_399 = arith.muli %scan3A_393, %mul3A_398 : i32
      %add3A_400 = arith.constant 12288 : i32
      %add3A_401 = arith.addi %add3A_400, %mul3A_399 : i32
      %add3A_402 = vector.broadcast %add3A_401 : i32 to vector<16xi32>
      %add3A_403 = arith.addi %add3A_402, %iota3A : vector<16xi32>
      %mul3A_404 = arith.constant 32 : i32
      %mul3A_405 = arith.muli %scan3A_393, %mul3A_404 : i32
      %get3A = arith.index_cast %mul3A_405 : i32 to index
      %get3A_406 = tpu.vector_load %arg7[%get3A] {strides = array<i32>} : memref<4096xf32, #tpu.memory_space<vmem>>, vector<16xf32>,
      %get3A_407 = vector.shape_cast %get3A_406 : vector<16xf32> to vector<16xf32>
      %mul3A_408 = arith.constant 32 : i32
      %mul3A_409 = arith.muli %scan3A_393, %mul3A_408 : i32
      %add3A_410 = arith.constant 16 : i32
      %add3A_411 = arith.addi %mul3A_409, %add3A_410 : i32
      %get3A_412 = arith.index_cast %add3A_411 : i32 to index
      %get3A_413 = tpu.vector_load %arg7[%get3A_412] {strides = array<i32>} : memref<4096xf32, #tpu.memory_space<vmem>>, vector<16xf32>,
      %get3A_414 = vector.shape_cast %get3A_413 : vector<16xf32> to vector<16xf32>
      %gt3A_415 = arith.cmpf ogt, %get3A_407, %scan3A_394 : vector<16xf32>
      %gt3A_416 = arith.cmpf ogt, %get3A_414, %scan3A_396 : vector<16xf32>
      %select_n3A_417 = arith.select %gt3A_415, %get3A_407, %scan3A_394 : vector<16xi1>, vector<16xf32>
      %select_n3A_418 = arith.select %gt3A_415, %add3A_403, %scan3A_395 : vector<16xi1>, vector<16xi32>
      %select_n3A_419 = arith.select %gt3A_416, %get3A_414, %scan3A_396 : vector<16xi1>, vector<16xf32>
      %add3A_420 = arith.constant 16 : i32
      %add3A_421 = vector.broadcast %add3A_420 : i32 to vector<16xi32>
      %add3A_422 = arith.addi %add3A_403, %add3A_421 : vector<16xi32>
      %select_n3A_423 = arith.select %gt3A_416, %add3A_422, %scan3A_397 : vector<16xi1>, vector<16xi32>
      %scan3A_424 = arith.constant 1 : i32
      %scan3A_425 = arith.addi %scan3A_393, %scan3A_424 : i32
      %mul3A_426 = arith.constant 32 : i32
      %mul3A_427 = arith.muli %scan3A_425, %mul3A_426 : i32
      %add3A_428 = arith.constant 12288 : i32
      %add3A_429 = arith.addi %add3A_428, %mul3A_427 : i32
      %add3A_430 = vector.broadcast %add3A_429 : i32 to vector<16xi32>
      %add3A_431 = arith.addi %add3A_430, %iota3A : vector<16xi32>
      %mul3A_432 = arith.constant 32 : i32
      %mul3A_433 = arith.muli %scan3A_425, %mul3A_432 : i32
      %get3A_434 = arith.index_cast %mul3A_433 : i32 to index
      %get3A_435 = tpu.vector_load %arg7[%get3A_434] {strides = array<i32>} : memref<4096xf32, #tpu.memory_space<vmem>>, vector<16xf32>,
      %get3A_436 = vector.shape_cast %get3A_435 : vector<16xf32> to vector<16xf32>
      %mul3A_437 = arith.constant 32 : i32
      %mul3A_438 = arith.muli %scan3A_425, %mul3A_437 : i32
      %add3A_439 = arith.constant 16 : i32
      %add3A_440 = arith.addi %mul3A_438, %add3A_439 : i32
      %get3A_441 = arith.index_cast %add3A_440 : i32 to index
      %get3A_442 = tpu.vector_load %arg7[%get3A_441] {strides = array<i32>} : memref<4096xf32, #tpu.memory_space<vmem>>, vector<16xf32>,
      %get3A_443 = vector.shape_cast %get3A_442 : vector<16xf32> to vector<16xf32>
      %gt3A_444 = arith.cmpf ogt, %get3A_436, %select_n3A_417 : vector<16xf32>
      %gt3A_445 = arith.cmpf ogt, %get3A_443, %select_n3A_419 : vector<16xf32>
      %select_n3A_446 = arith.select %gt3A_444, %get3A_436, %select_n3A_417 : vector<16xi1>, vector<16xf32>
      %select_n3A_447 = arith.select %gt3A_444, %add3A_431, %select_n3A_418 : vector<16xi1>, vector<16xi32>
      %select_n3A_448 = arith.select %gt3A_445, %get3A_443, %select_n3A_419 : vector<16xi1>, vector<16xf32>
      %add3A_449 = arith.constant 16 : i32
      %add3A_450 = vector.broadcast %add3A_449 : i32 to vector<16xi32>
      %add3A_451 = arith.addi %add3A_431, %add3A_450 : vector<16xi32>
      %select_n3A_452 = arith.select %gt3A_445, %add3A_451, %select_n3A_423 : vector<16xi1>, vector<16xi32>
      %scan3A_453 = arith.constant 2 : i32
      %scan3A_454 = arith.addi %scan3A_393, %scan3A_453 : i32
      %mul3A_455 = arith.constant 32 : i32
      %mul3A_456 = arith.muli %scan3A_454, %mul3A_455 : i32
      %add3A_457 = arith.constant 12288 : i32
      %add3A_458 = arith.addi %add3A_457, %mul3A_456 : i32
      %add3A_459 = vector.broadcast %add3A_458 : i32 to vector<16xi32>
      %add3A_460 = arith.addi %add3A_459, %iota3A : vector<16xi32>
      %mul3A_461 = arith.constant 32 : i32
      %mul3A_462 = arith.muli %scan3A_454, %mul3A_461 : i32
      %get3A_463 = arith.index_cast %mul3A_462 : i32 to index
      %get3A_464 = tpu.vector_load %arg7[%get3A_463] {strides = array<i32>} : memref<4096xf32, #tpu.memory_space<vmem>>, vector<16xf32>,
      %get3A_465 = vector.shape_cast %get3A_464 : vector<16xf32> to vector<16xf32>
      %mul3A_466 = arith.constant 32 : i32
      %mul3A_467 = arith.muli %scan3A_454, %mul3A_466 : i32
      %add3A_468 = arith.constant 16 : i32
      %add3A_469 = arith.addi %mul3A_467, %add3A_468 : i32
      %get3A_470 = arith.index_cast %add3A_469 : i32 to index
      %get3A_471 = tpu.vector_load %arg7[%get3A_470] {strides = array<i32>} : memref<4096xf32, #tpu.memory_space<vmem>>, vector<16xf32>,
      %get3A_472 = vector.shape_cast %get3A_471 : vector<16xf32> to vector<16xf32>
      %gt3A_473 = arith.cmpf ogt, %get3A_465, %select_n3A_446 : vector<16xf32>
      %gt3A_474 = arith.cmpf ogt, %get3A_472, %select_n3A_448 : vector<16xf32>
      %select_n3A_475 = arith.select %gt3A_473, %get3A_465, %select_n3A_446 : vector<16xi1>, vector<16xf32>
      %select_n3A_476 = arith.select %gt3A_473, %add3A_460, %select_n3A_447 : vector<16xi1>, vector<16xi32>
      %select_n3A_477 = arith.select %gt3A_474, %get3A_472, %select_n3A_448 : vector<16xi1>, vector<16xf32>
      %add3A_478 = arith.constant 16 : i32
      %add3A_479 = vector.broadcast %add3A_478 : i32 to vector<16xi32>
      %add3A_480 = arith.addi %add3A_460, %add3A_479 : vector<16xi32>
      %select_n3A_481 = arith.select %gt3A_474, %add3A_480, %select_n3A_452 : vector<16xi1>, vector<16xi32>
      %scan3A_482 = arith.constant 3 : i32
      %scan3A_483 = arith.addi %scan3A_393, %scan3A_482 : i32
      %mul3A_484 = arith.constant 32 : i32
      %mul3A_485 = arith.muli %scan3A_483, %mul3A_484 : i32
      %add3A_486 = arith.constant 12288 : i32
      %add3A_487 = arith.addi %add3A_486, %mul3A_485 : i32
      %add3A_488 = vector.broadcast %add3A_487 : i32 to vector<16xi32>
      %add3A_489 = arith.addi %add3A_488, %iota3A : vector<16xi32>
      %mul3A_490 = arith.constant 32 : i32
      %mul3A_491 = arith.muli %scan3A_483, %mul3A_490 : i32
      %get3A_492 = arith.index_cast %mul3A_491 : i32 to index
      %get3A_493 = tpu.vector_load %arg7[%get3A_492] {strides = array<i32>} : memref<4096xf32, #tpu.memory_space<vmem>>, vector<16xf32>,
      %get3A_494 = vector.shape_cast %get3A_493 : vector<16xf32> to vector<16xf32>
      %mul3A_495 = arith.constant 32 : i32
      %mul3A_496 = arith.muli %scan3A_483, %mul3A_495 : i32
      %add3A_497 = arith.constant 16 : i32
      %add3A_498 = arith.addi %mul3A_496, %add3A_497 : i32
      %get3A_499 = arith.index_cast %add3A_498 : i32 to index
      %get3A_500 = tpu.vector_load %arg7[%get3A_499] {strides = array<i32>} : memref<4096xf32, #tpu.memory_space<vmem>>, vector<16xf32>,
      %get3A_501 = vector.shape_cast %get3A_500 : vector<16xf32> to vector<16xf32>
      %gt3A_502 = arith.cmpf ogt, %get3A_494, %select_n3A_475 : vector<16xf32>
      %gt3A_503 = arith.cmpf ogt, %get3A_501, %select_n3A_477 : vector<16xf32>
      %select_n3A_504 = arith.select %gt3A_502, %get3A_494, %select_n3A_475 : vector<16xi1>, vector<16xf32>
      %select_n3A_505 = arith.select %gt3A_502, %add3A_489, %select_n3A_476 : vector<16xi1>, vector<16xi32>
      %select_n3A_506 = arith.select %gt3A_503, %get3A_501, %select_n3A_477 : vector<16xi1>, vector<16xf32>
      %add3A_507 = arith.constant 16 : i32
      %add3A_508 = vector.broadcast %add3A_507 : i32 to vector<16xi32>
      %add3A_509 = arith.addi %add3A_489, %add3A_508 : vector<16xi32>
      %select_n3A_510 = arith.select %gt3A_503, %add3A_509, %select_n3A_481 : vector<16xi1>, vector<16xi32>
      scf.yield %select_n3A_504, %select_n3A_505, %select_n3A_506, %select_n3A_510 : vector<16xf32>, vector<16xi32>, vector<16xf32>, vector<16xi32>
    }
    %scan3A_156 = arith.constant 128 : i32
    %dma_wait3A_157 = arith.constant 16384 : i32
    %dma_wait3A_158 = tpu.memref_slice %arg2[%add3A_2, %dma_wait3A_157] : memref<128x32768xf32, #tpu.memory_space<hbm>> -> memref<1x4096xf32, #tpu.memory_space<hbm>>
    %dma_wait3A_159 = tpu.memref_squeeze %dma_wait3A_158 : memref<1x4096xf32, #tpu.memory_space<hbm>> -> memref<4096xf32, #tpu.memory_space<hbm>>
    %dma_wait3A_160 = arith.constant 16384 : i32
    %dma_wait3A_161 = tpu.memref_slice %arg2[%add3A_2, %dma_wait3A_160] : memref<128x32768xf32, #tpu.memory_space<hbm>> -> memref<1x4096xf32, #tpu.memory_space<hbm>>
    %dma_wait3A_162 = tpu.memref_squeeze %dma_wait3A_161 : memref<1x4096xf32, #tpu.memory_space<hbm>> -> memref<4096xf32, #tpu.memory_space<hbm>>
    tpu.wait_dma2 semaphore(%arg18 : memref<!tpu.dma_semaphore, #tpu.memory_space<semaphore_mem>>) src(%dma_wait3A_162 : memref<4096xf32, #tpu.memory_space<hbm>>) dst(%arg8 : memref<4096xf32, #tpu.memory_space<vmem>>)
    %scan3A_163 = arith.constant 0 : i32
    %scan3A_164 = arith.constant 128 : i32
    %scan3A_165 = arith.addi %scan3A_163, %scan3A_164 : i32
    %scan3A_166 = arith.constant 4 : i32
    %scan3A_167:4 = scf.for %scan3A_393 = %scan3A_163 to %scan3A_165 step %scan3A_166 iter_args(%scan3A_394 = %scan3A_155#0, %scan3A_395 = %scan3A_155#1, %scan3A_396 = %scan3A_155#2, %scan3A_397 = %scan3A_155#3) -> (vector<16xf32>, vector<16xi32>, vector<16xf32>, vector<16xi32>)  : i32 {
      %mul3A_398 = arith.constant 32 : i32
      %mul3A_399 = arith.muli %scan3A_393, %mul3A_398 : i32
      %add3A_400 = arith.constant 16384 : i32
      %add3A_401 = arith.addi %add3A_400, %mul3A_399 : i32
      %add3A_402 = vector.broadcast %add3A_401 : i32 to vector<16xi32>
      %add3A_403 = arith.addi %add3A_402, %iota3A : vector<16xi32>
      %mul3A_404 = arith.constant 32 : i32
      %mul3A_405 = arith.muli %scan3A_393, %mul3A_404 : i32
      %get3A = arith.index_cast %mul3A_405 : i32 to index
      %get3A_406 = tpu.vector_load %arg8[%get3A] {strides = array<i32>} : memref<4096xf32, #tpu.memory_space<vmem>>, vector<16xf32>,
      %get3A_407 = vector.shape_cast %get3A_406 : vector<16xf32> to vector<16xf32>
      %mul3A_408 = arith.constant 32 : i32
      %mul3A_409 = arith.muli %scan3A_393, %mul3A_408 : i32
      %add3A_410 = arith.constant 16 : i32
      %add3A_411 = arith.addi %mul3A_409, %add3A_410 : i32
      %get3A_412 = arith.index_cast %add3A_411 : i32 to index
      %get3A_413 = tpu.vector_load %arg8[%get3A_412] {strides = array<i32>} : memref<4096xf32, #tpu.memory_space<vmem>>, vector<16xf32>,
      %get3A_414 = vector.shape_cast %get3A_413 : vector<16xf32> to vector<16xf32>
      %gt3A_415 = arith.cmpf ogt, %get3A_407, %scan3A_394 : vector<16xf32>
      %gt3A_416 = arith.cmpf ogt, %get3A_414, %scan3A_396 : vector<16xf32>
      %select_n3A_417 = arith.select %gt3A_415, %get3A_407, %scan3A_394 : vector<16xi1>, vector<16xf32>
      %select_n3A_418 = arith.select %gt3A_415, %add3A_403, %scan3A_395 : vector<16xi1>, vector<16xi32>
      %select_n3A_419 = arith.select %gt3A_416, %get3A_414, %scan3A_396 : vector<16xi1>, vector<16xf32>
      %add3A_420 = arith.constant 16 : i32
      %add3A_421 = vector.broadcast %add3A_420 : i32 to vector<16xi32>
      %add3A_422 = arith.addi %add3A_403, %add3A_421 : vector<16xi32>
      %select_n3A_423 = arith.select %gt3A_416, %add3A_422, %scan3A_397 : vector<16xi1>, vector<16xi32>
      %scan3A_424 = arith.constant 1 : i32
      %scan3A_425 = arith.addi %scan3A_393, %scan3A_424 : i32
      %mul3A_426 = arith.constant 32 : i32
      %mul3A_427 = arith.muli %scan3A_425, %mul3A_426 : i32
      %add3A_428 = arith.constant 16384 : i32
      %add3A_429 = arith.addi %add3A_428, %mul3A_427 : i32
      %add3A_430 = vector.broadcast %add3A_429 : i32 to vector<16xi32>
      %add3A_431 = arith.addi %add3A_430, %iota3A : vector<16xi32>
      %mul3A_432 = arith.constant 32 : i32
      %mul3A_433 = arith.muli %scan3A_425, %mul3A_432 : i32
      %get3A_434 = arith.index_cast %mul3A_433 : i32 to index
      %get3A_435 = tpu.vector_load %arg8[%get3A_434] {strides = array<i32>} : memref<4096xf32, #tpu.memory_space<vmem>>, vector<16xf32>,
      %get3A_436 = vector.shape_cast %get3A_435 : vector<16xf32> to vector<16xf32>
      %mul3A_437 = arith.constant 32 : i32
      %mul3A_438 = arith.muli %scan3A_425, %mul3A_437 : i32
      %add3A_439 = arith.constant 16 : i32
      %add3A_440 = arith.addi %mul3A_438, %add3A_439 : i32
      %get3A_441 = arith.index_cast %add3A_440 : i32 to index
      %get3A_442 = tpu.vector_load %arg8[%get3A_441] {strides = array<i32>} : memref<4096xf32, #tpu.memory_space<vmem>>, vector<16xf32>,
      %get3A_443 = vector.shape_cast %get3A_442 : vector<16xf32> to vector<16xf32>
      %gt3A_444 = arith.cmpf ogt, %get3A_436, %select_n3A_417 : vector<16xf32>
      %gt3A_445 = arith.cmpf ogt, %get3A_443, %select_n3A_419 : vector<16xf32>
      %select_n3A_446 = arith.select %gt3A_444, %get3A_436, %select_n3A_417 : vector<16xi1>, vector<16xf32>
      %select_n3A_447 = arith.select %gt3A_444, %add3A_431, %select_n3A_418 : vector<16xi1>, vector<16xi32>
      %select_n3A_448 = arith.select %gt3A_445, %get3A_443, %select_n3A_419 : vector<16xi1>, vector<16xf32>
      %add3A_449 = arith.constant 16 : i32
      %add3A_450 = vector.broadcast %add3A_449 : i32 to vector<16xi32>
      %add3A_451 = arith.addi %add3A_431, %add3A_450 : vector<16xi32>
      %select_n3A_452 = arith.select %gt3A_445, %add3A_451, %select_n3A_423 : vector<16xi1>, vector<16xi32>
      %scan3A_453 = arith.constant 2 : i32
      %scan3A_454 = arith.addi %scan3A_393, %scan3A_453 : i32
      %mul3A_455 = arith.constant 32 : i32
      %mul3A_456 = arith.muli %scan3A_454, %mul3A_455 : i32
      %add3A_457 = arith.constant 16384 : i32
      %add3A_458 = arith.addi %add3A_457, %mul3A_456 : i32
      %add3A_459 = vector.broadcast %add3A_458 : i32 to vector<16xi32>
      %add3A_460 = arith.addi %add3A_459, %iota3A : vector<16xi32>
      %mul3A_461 = arith.constant 32 : i32
      %mul3A_462 = arith.muli %scan3A_454, %mul3A_461 : i32
      %get3A_463 = arith.index_cast %mul3A_462 : i32 to index
      %get3A_464 = tpu.vector_load %arg8[%get3A_463] {strides = array<i32>} : memref<4096xf32, #tpu.memory_space<vmem>>, vector<16xf32>,
      %get3A_465 = vector.shape_cast %get3A_464 : vector<16xf32> to vector<16xf32>
      %mul3A_466 = arith.constant 32 : i32
      %mul3A_467 = arith.muli %scan3A_454, %mul3A_466 : i32
      %add3A_468 = arith.constant 16 : i32
      %add3A_469 = arith.addi %mul3A_467, %add3A_468 : i32
      %get3A_470 = arith.index_cast %add3A_469 : i32 to index
      %get3A_471 = tpu.vector_load %arg8[%get3A_470] {strides = array<i32>} : memref<4096xf32, #tpu.memory_space<vmem>>, vector<16xf32>,
      %get3A_472 = vector.shape_cast %get3A_471 : vector<16xf32> to vector<16xf32>
      %gt3A_473 = arith.cmpf ogt, %get3A_465, %select_n3A_446 : vector<16xf32>
      %gt3A_474 = arith.cmpf ogt, %get3A_472, %select_n3A_448 : vector<16xf32>
      %select_n3A_475 = arith.select %gt3A_473, %get3A_465, %select_n3A_446 : vector<16xi1>, vector<16xf32>
      %select_n3A_476 = arith.select %gt3A_473, %add3A_460, %select_n3A_447 : vector<16xi1>, vector<16xi32>
      %select_n3A_477 = arith.select %gt3A_474, %get3A_472, %select_n3A_448 : vector<16xi1>, vector<16xf32>
      %add3A_478 = arith.constant 16 : i32
      %add3A_479 = vector.broadcast %add3A_478 : i32 to vector<16xi32>
      %add3A_480 = arith.addi %add3A_460, %add3A_479 : vector<16xi32>
      %select_n3A_481 = arith.select %gt3A_474, %add3A_480, %select_n3A_452 : vector<16xi1>, vector<16xi32>
      %scan3A_482 = arith.constant 3 : i32
      %scan3A_483 = arith.addi %scan3A_393, %scan3A_482 : i32
      %mul3A_484 = arith.constant 32 : i32
      %mul3A_485 = arith.muli %scan3A_483, %mul3A_484 : i32
      %add3A_486 = arith.constant 16384 : i32
      %add3A_487 = arith.addi %add3A_486, %mul3A_485 : i32
      %add3A_488 = vector.broadcast %add3A_487 : i32 to vector<16xi32>
      %add3A_489 = arith.addi %add3A_488, %iota3A : vector<16xi32>
      %mul3A_490 = arith.constant 32 : i32
      %mul3A_491 = arith.muli %scan3A_483, %mul3A_490 : i32
      %get3A_492 = arith.index_cast %mul3A_491 : i32 to index
      %get3A_493 = tpu.vector_load %arg8[%get3A_492] {strides = array<i32>} : memref<4096xf32, #tpu.memory_space<vmem>>, vector<16xf32>,
      %get3A_494 = vector.shape_cast %get3A_493 : vector<16xf32> to vector<16xf32>
      %mul3A_495 = arith.constant 32 : i32
      %mul3A_496 = arith.muli %scan3A_483, %mul3A_495 : i32
      %add3A_497 = arith.constant 16 : i32
      %add3A_498 = arith.addi %mul3A_496, %add3A_497 : i32
      %get3A_499 = arith.index_cast %add3A_498 : i32 to index
      %get3A_500 = tpu.vector_load %arg8[%get3A_499] {strides = array<i32>} : memref<4096xf32, #tpu.memory_space<vmem>>, vector<16xf32>,
      %get3A_501 = vector.shape_cast %get3A_500 : vector<16xf32> to vector<16xf32>
      %gt3A_502 = arith.cmpf ogt, %get3A_494, %select_n3A_475 : vector<16xf32>
      %gt3A_503 = arith.cmpf ogt, %get3A_501, %select_n3A_477 : vector<16xf32>
      %select_n3A_504 = arith.select %gt3A_502, %get3A_494, %select_n3A_475 : vector<16xi1>, vector<16xf32>
      %select_n3A_505 = arith.select %gt3A_502, %add3A_489, %select_n3A_476 : vector<16xi1>, vector<16xi32>
      %select_n3A_506 = arith.select %gt3A_503, %get3A_501, %select_n3A_477 : vector<16xi1>, vector<16xf32>
      %add3A_507 = arith.constant 16 : i32
      %add3A_508 = vector.broadcast %add3A_507 : i32 to vector<16xi32>
      %add3A_509 = arith.addi %add3A_489, %add3A_508 : vector<16xi32>
      %select_n3A_510 = arith.select %gt3A_503, %add3A_509, %select_n3A_481 : vector<16xi1>, vector<16xi32>
      scf.yield %select_n3A_504, %select_n3A_505, %select_n3A_506, %select_n3A_510 : vector<16xf32>, vector<16xi32>, vector<16xf32>, vector<16xi32>
    }
    %scan3A_168 = arith.constant 128 : i32
    %dma_wait3A_169 = arith.constant 20480 : i32
    %dma_wait3A_170 = tpu.memref_slice %arg2[%add3A_2, %dma_wait3A_169] : memref<128x32768xf32, #tpu.memory_space<hbm>> -> memref<1x4096xf32, #tpu.memory_space<hbm>>
    %dma_wait3A_171 = tpu.memref_squeeze %dma_wait3A_170 : memref<1x4096xf32, #tpu.memory_space<hbm>> -> memref<4096xf32, #tpu.memory_space<hbm>>
    %dma_wait3A_172 = arith.constant 20480 : i32
    %dma_wait3A_173 = tpu.memref_slice %arg2[%add3A_2, %dma_wait3A_172] : memref<128x32768xf32, #tpu.memory_space<hbm>> -> memref<1x4096xf32, #tpu.memory_space<hbm>>
    %dma_wait3A_174 = tpu.memref_squeeze %dma_wait3A_173 : memref<1x4096xf32, #tpu.memory_space<hbm>> -> memref<4096xf32, #tpu.memory_space<hbm>>
    tpu.wait_dma2 semaphore(%arg19 : memref<!tpu.dma_semaphore, #tpu.memory_space<semaphore_mem>>) src(%dma_wait3A_174 : memref<4096xf32, #tpu.memory_space<hbm>>) dst(%arg9 : memref<4096xf32, #tpu.memory_space<vmem>>)
    %scan3A_175 = arith.constant 0 : i32
    %scan3A_176 = arith.constant 128 : i32
    %scan3A_177 = arith.addi %scan3A_175, %scan3A_176 : i32
    %scan3A_178 = arith.constant 4 : i32
    %scan3A_179:4 = scf.for %scan3A_393 = %scan3A_175 to %scan3A_177 step %scan3A_178 iter_args(%scan3A_394 = %scan3A_167#0, %scan3A_395 = %scan3A_167#1, %scan3A_396 = %scan3A_167#2, %scan3A_397 = %scan3A_167#3) -> (vector<16xf32>, vector<16xi32>, vector<16xf32>, vector<16xi32>)  : i32 {
      %mul3A_398 = arith.constant 32 : i32
      %mul3A_399 = arith.muli %scan3A_393, %mul3A_398 : i32
      %add3A_400 = arith.constant 20480 : i32
      %add3A_401 = arith.addi %add3A_400, %mul3A_399 : i32
      %add3A_402 = vector.broadcast %add3A_401 : i32 to vector<16xi32>
      %add3A_403 = arith.addi %add3A_402, %iota3A : vector<16xi32>
      %mul3A_404 = arith.constant 32 : i32
      %mul3A_405 = arith.muli %scan3A_393, %mul3A_404 : i32
      %get3A = arith.index_cast %mul3A_405 : i32 to index
      %get3A_406 = tpu.vector_load %arg9[%get3A] {strides = array<i32>} : memref<4096xf32, #tpu.memory_space<vmem>>, vector<16xf32>,
      %get3A_407 = vector.shape_cast %get3A_406 : vector<16xf32> to vector<16xf32>
      %mul3A_408 = arith.constant 32 : i32
      %mul3A_409 = arith.muli %scan3A_393, %mul3A_408 : i32
      %add3A_410 = arith.constant 16 : i32
      %add3A_411 = arith.addi %mul3A_409, %add3A_410 : i32
      %get3A_412 = arith.index_cast %add3A_411 : i32 to index
      %get3A_413 = tpu.vector_load %arg9[%get3A_412] {strides = array<i32>} : memref<4096xf32, #tpu.memory_space<vmem>>, vector<16xf32>,
      %get3A_414 = vector.shape_cast %get3A_413 : vector<16xf32> to vector<16xf32>
      %gt3A_415 = arith.cmpf ogt, %get3A_407, %scan3A_394 : vector<16xf32>
      %gt3A_416 = arith.cmpf ogt, %get3A_414, %scan3A_396 : vector<16xf32>
      %select_n3A_417 = arith.select %gt3A_415, %get3A_407, %scan3A_394 : vector<16xi1>, vector<16xf32>
      %select_n3A_418 = arith.select %gt3A_415, %add3A_403, %scan3A_395 : vector<16xi1>, vector<16xi32>
      %select_n3A_419 = arith.select %gt3A_416, %get3A_414, %scan3A_396 : vector<16xi1>, vector<16xf32>
      %add3A_420 = arith.constant 16 : i32
      %add3A_421 = vector.broadcast %add3A_420 : i32 to vector<16xi32>
      %add3A_422 = arith.addi %add3A_403, %add3A_421 : vector<16xi32>
      %select_n3A_423 = arith.select %gt3A_416, %add3A_422, %scan3A_397 : vector<16xi1>, vector<16xi32>
      %scan3A_424 = arith.constant 1 : i32
      %scan3A_425 = arith.addi %scan3A_393, %scan3A_424 : i32
      %mul3A_426 = arith.constant 32 : i32
      %mul3A_427 = arith.muli %scan3A_425, %mul3A_426 : i32
      %add3A_428 = arith.constant 20480 : i32
      %add3A_429 = arith.addi %add3A_428, %mul3A_427 : i32
      %add3A_430 = vector.broadcast %add3A_429 : i32 to vector<16xi32>
      %add3A_431 = arith.addi %add3A_430, %iota3A : vector<16xi32>
      %mul3A_432 = arith.constant 32 : i32
      %mul3A_433 = arith.muli %scan3A_425, %mul3A_432 : i32
      %get3A_434 = arith.index_cast %mul3A_433 : i32 to index
      %get3A_435 = tpu.vector_load %arg9[%get3A_434] {strides = array<i32>} : memref<4096xf32, #tpu.memory_space<vmem>>, vector<16xf32>,
      %get3A_436 = vector.shape_cast %get3A_435 : vector<16xf32> to vector<16xf32>
      %mul3A_437 = arith.constant 32 : i32
      %mul3A_438 = arith.muli %scan3A_425, %mul3A_437 : i32
      %add3A_439 = arith.constant 16 : i32
      %add3A_440 = arith.addi %mul3A_438, %add3A_439 : i32
      %get3A_441 = arith.index_cast %add3A_440 : i32 to index
      %get3A_442 = tpu.vector_load %arg9[%get3A_441] {strides = array<i32>} : memref<4096xf32, #tpu.memory_space<vmem>>, vector<16xf32>,
      %get3A_443 = vector.shape_cast %get3A_442 : vector<16xf32> to vector<16xf32>
      %gt3A_444 = arith.cmpf ogt, %get3A_436, %select_n3A_417 : vector<16xf32>
      %gt3A_445 = arith.cmpf ogt, %get3A_443, %select_n3A_419 : vector<16xf32>
      %select_n3A_446 = arith.select %gt3A_444, %get3A_436, %select_n3A_417 : vector<16xi1>, vector<16xf32>
      %select_n3A_447 = arith.select %gt3A_444, %add3A_431, %select_n3A_418 : vector<16xi1>, vector<16xi32>
      %select_n3A_448 = arith.select %gt3A_445, %get3A_443, %select_n3A_419 : vector<16xi1>, vector<16xf32>
      %add3A_449 = arith.constant 16 : i32
      %add3A_450 = vector.broadcast %add3A_449 : i32 to vector<16xi32>
      %add3A_451 = arith.addi %add3A_431, %add3A_450 : vector<16xi32>
      %select_n3A_452 = arith.select %gt3A_445, %add3A_451, %select_n3A_423 : vector<16xi1>, vector<16xi32>
      %scan3A_453 = arith.constant 2 : i32
      %scan3A_454 = arith.addi %scan3A_393, %scan3A_453 : i32
      %mul3A_455 = arith.constant 32 : i32
      %mul3A_456 = arith.muli %scan3A_454, %mul3A_455 : i32
      %add3A_457 = arith.constant 20480 : i32
      %add3A_458 = arith.addi %add3A_457, %mul3A_456 : i32
      %add3A_459 = vector.broadcast %add3A_458 : i32 to vector<16xi32>
      %add3A_460 = arith.addi %add3A_459, %iota3A : vector<16xi32>
      %mul3A_461 = arith.constant 32 : i32
      %mul3A_462 = arith.muli %scan3A_454, %mul3A_461 : i32
      %get3A_463 = arith.index_cast %mul3A_462 : i32 to index
      %get3A_464 = tpu.vector_load %arg9[%get3A_463] {strides = array<i32>} : memref<4096xf32, #tpu.memory_space<vmem>>, vector<16xf32>,
      %get3A_465 = vector.shape_cast %get3A_464 : vector<16xf32> to vector<16xf32>
      %mul3A_466 = arith.constant 32 : i32
      %mul3A_467 = arith.muli %scan3A_454, %mul3A_466 : i32
      %add3A_468 = arith.constant 16 : i32
      %add3A_469 = arith.addi %mul3A_467, %add3A_468 : i32
      %get3A_470 = arith.index_cast %add3A_469 : i32 to index
      %get3A_471 = tpu.vector_load %arg9[%get3A_470] {strides = array<i32>} : memref<4096xf32, #tpu.memory_space<vmem>>, vector<16xf32>,
      %get3A_472 = vector.shape_cast %get3A_471 : vector<16xf32> to vector<16xf32>
      %gt3A_473 = arith.cmpf ogt, %get3A_465, %select_n3A_446 : vector<16xf32>
      %gt3A_474 = arith.cmpf ogt, %get3A_472, %select_n3A_448 : vector<16xf32>
      %select_n3A_475 = arith.select %gt3A_473, %get3A_465, %select_n3A_446 : vector<16xi1>, vector<16xf32>
      %select_n3A_476 = arith.select %gt3A_473, %add3A_460, %select_n3A_447 : vector<16xi1>, vector<16xi32>
      %select_n3A_477 = arith.select %gt3A_474, %get3A_472, %select_n3A_448 : vector<16xi1>, vector<16xf32>
      %add3A_478 = arith.constant 16 : i32
      %add3A_479 = vector.broadcast %add3A_478 : i32 to vector<16xi32>
      %add3A_480 = arith.addi %add3A_460, %add3A_479 : vector<16xi32>
      %select_n3A_481 = arith.select %gt3A_474, %add3A_480, %select_n3A_452 : vector<16xi1>, vector<16xi32>
      %scan3A_482 = arith.constant 3 : i32
      %scan3A_483 = arith.addi %scan3A_393, %scan3A_482 : i32
      %mul3A_484 = arith.constant 32 : i32
      %mul3A_485 = arith.muli %scan3A_483, %mul3A_484 : i32
      %add3A_486 = arith.constant 20480 : i32
      %add3A_487 = arith.addi %add3A_486, %mul3A_485 : i32
      %add3A_488 = vector.broadcast %add3A_487 : i32 to vector<16xi32>
      %add3A_489 = arith.addi %add3A_488, %iota3A : vector<16xi32>
      %mul3A_490 = arith.constant 32 : i32
      %mul3A_491 = arith.muli %scan3A_483, %mul3A_490 : i32
      %get3A_492 = arith.index_cast %mul3A_491 : i32 to index
      %get3A_493 = tpu.vector_load %arg9[%get3A_492] {strides = array<i32>} : memref<4096xf32, #tpu.memory_space<vmem>>, vector<16xf32>,
      %get3A_494 = vector.shape_cast %get3A_493 : vector<16xf32> to vector<16xf32>
      %mul3A_495 = arith.constant 32 : i32
      %mul3A_496 = arith.muli %scan3A_483, %mul3A_495 : i32
      %add3A_497 = arith.constant 16 : i32
      %add3A_498 = arith.addi %mul3A_496, %add3A_497 : i32
      %get3A_499 = arith.index_cast %add3A_498 : i32 to index
      %get3A_500 = tpu.vector_load %arg9[%get3A_499] {strides = array<i32>} : memref<4096xf32, #tpu.memory_space<vmem>>, vector<16xf32>,
      %get3A_501 = vector.shape_cast %get3A_500 : vector<16xf32> to vector<16xf32>
      %gt3A_502 = arith.cmpf ogt, %get3A_494, %select_n3A_475 : vector<16xf32>
      %gt3A_503 = arith.cmpf ogt, %get3A_501, %select_n3A_477 : vector<16xf32>
      %select_n3A_504 = arith.select %gt3A_502, %get3A_494, %select_n3A_475 : vector<16xi1>, vector<16xf32>
      %select_n3A_505 = arith.select %gt3A_502, %add3A_489, %select_n3A_476 : vector<16xi1>, vector<16xi32>
      %select_n3A_506 = arith.select %gt3A_503, %get3A_501, %select_n3A_477 : vector<16xi1>, vector<16xf32>
      %add3A_507 = arith.constant 16 : i32
      %add3A_508 = vector.broadcast %add3A_507 : i32 to vector<16xi32>
      %add3A_509 = arith.addi %add3A_489, %add3A_508 : vector<16xi32>
      %select_n3A_510 = arith.select %gt3A_503, %add3A_509, %select_n3A_481 : vector<16xi1>, vector<16xi32>
      scf.yield %select_n3A_504, %select_n3A_505, %select_n3A_506, %select_n3A_510 : vector<16xf32>, vector<16xi32>, vector<16xf32>, vector<16xi32>
    }
    %scan3A_180 = arith.constant 128 : i32
    %dma_wait3A_181 = arith.constant 24576 : i32
    %dma_wait3A_182 = tpu.memref_slice %arg2[%add3A_2, %dma_wait3A_181] : memref<128x32768xf32, #tpu.memory_space<hbm>> -> memref<1x4096xf32, #tpu.memory_space<hbm>>
    %dma_wait3A_183 = tpu.memref_squeeze %dma_wait3A_182 : memref<1x4096xf32, #tpu.memory_space<hbm>> -> memref<4096xf32, #tpu.memory_space<hbm>>
    %dma_wait3A_184 = arith.constant 24576 : i32
    %dma_wait3A_185 = tpu.memref_slice %arg2[%add3A_2, %dma_wait3A_184] : memref<128x32768xf32, #tpu.memory_space<hbm>> -> memref<1x4096xf32, #tpu.memory_space<hbm>>
    %dma_wait3A_186 = tpu.memref_squeeze %dma_wait3A_185 : memref<1x4096xf32, #tpu.memory_space<hbm>> -> memref<4096xf32, #tpu.memory_space<hbm>>
    tpu.wait_dma2 semaphore(%arg20 : memref<!tpu.dma_semaphore, #tpu.memory_space<semaphore_mem>>) src(%dma_wait3A_186 : memref<4096xf32, #tpu.memory_space<hbm>>) dst(%arg10 : memref<4096xf32, #tpu.memory_space<vmem>>)
    %scan3A_187 = arith.constant 0 : i32
    %scan3A_188 = arith.constant 128 : i32
    %scan3A_189 = arith.addi %scan3A_187, %scan3A_188 : i32
    %scan3A_190 = arith.constant 4 : i32
    %scan3A_191:4 = scf.for %scan3A_393 = %scan3A_187 to %scan3A_189 step %scan3A_190 iter_args(%scan3A_394 = %scan3A_179#0, %scan3A_395 = %scan3A_179#1, %scan3A_396 = %scan3A_179#2, %scan3A_397 = %scan3A_179#3) -> (vector<16xf32>, vector<16xi32>, vector<16xf32>, vector<16xi32>)  : i32 {
      %mul3A_398 = arith.constant 32 : i32
      %mul3A_399 = arith.muli %scan3A_393, %mul3A_398 : i32
      %add3A_400 = arith.constant 24576 : i32
      %add3A_401 = arith.addi %add3A_400, %mul3A_399 : i32
      %add3A_402 = vector.broadcast %add3A_401 : i32 to vector<16xi32>
      %add3A_403 = arith.addi %add3A_402, %iota3A : vector<16xi32>
      %mul3A_404 = arith.constant 32 : i32
      %mul3A_405 = arith.muli %scan3A_393, %mul3A_404 : i32
      %get3A = arith.index_cast %mul3A_405 : i32 to index
      %get3A_406 = tpu.vector_load %arg10[%get3A] {strides = array<i32>} : memref<4096xf32, #tpu.memory_space<vmem>>, vector<16xf32>,
      %get3A_407 = vector.shape_cast %get3A_406 : vector<16xf32> to vector<16xf32>
      %mul3A_408 = arith.constant 32 : i32
      %mul3A_409 = arith.muli %scan3A_393, %mul3A_408 : i32
      %add3A_410 = arith.constant 16 : i32
      %add3A_411 = arith.addi %mul3A_409, %add3A_410 : i32
      %get3A_412 = arith.index_cast %add3A_411 : i32 to index
      %get3A_413 = tpu.vector_load %arg10[%get3A_412] {strides = array<i32>} : memref<4096xf32, #tpu.memory_space<vmem>>, vector<16xf32>,
      %get3A_414 = vector.shape_cast %get3A_413 : vector<16xf32> to vector<16xf32>
      %gt3A_415 = arith.cmpf ogt, %get3A_407, %scan3A_394 : vector<16xf32>
      %gt3A_416 = arith.cmpf ogt, %get3A_414, %scan3A_396 : vector<16xf32>
      %select_n3A_417 = arith.select %gt3A_415, %get3A_407, %scan3A_394 : vector<16xi1>, vector<16xf32>
      %select_n3A_418 = arith.select %gt3A_415, %add3A_403, %scan3A_395 : vector<16xi1>, vector<16xi32>
      %select_n3A_419 = arith.select %gt3A_416, %get3A_414, %scan3A_396 : vector<16xi1>, vector<16xf32>
      %add3A_420 = arith.constant 16 : i32
      %add3A_421 = vector.broadcast %add3A_420 : i32 to vector<16xi32>
      %add3A_422 = arith.addi %add3A_403, %add3A_421 : vector<16xi32>
      %select_n3A_423 = arith.select %gt3A_416, %add3A_422, %scan3A_397 : vector<16xi1>, vector<16xi32>
      %scan3A_424 = arith.constant 1 : i32
      %scan3A_425 = arith.addi %scan3A_393, %scan3A_424 : i32
      %mul3A_426 = arith.constant 32 : i32
      %mul3A_427 = arith.muli %scan3A_425, %mul3A_426 : i32
      %add3A_428 = arith.constant 24576 : i32
      %add3A_429 = arith.addi %add3A_428, %mul3A_427 : i32
      %add3A_430 = vector.broadcast %add3A_429 : i32 to vector<16xi32>
      %add3A_431 = arith.addi %add3A_430, %iota3A : vector<16xi32>
      %mul3A_432 = arith.constant 32 : i32
      %mul3A_433 = arith.muli %scan3A_425, %mul3A_432 : i32
      %get3A_434 = arith.index_cast %mul3A_433 : i32 to index
      %get3A_435 = tpu.vector_load %arg10[%get3A_434] {strides = array<i32>} : memref<4096xf32, #tpu.memory_space<vmem>>, vector<16xf32>,
      %get3A_436 = vector.shape_cast %get3A_435 : vector<16xf32> to vector<16xf32>
      %mul3A_437 = arith.constant 32 : i32
      %mul3A_438 = arith.muli %scan3A_425, %mul3A_437 : i32
      %add3A_439 = arith.constant 16 : i32
      %add3A_440 = arith.addi %mul3A_438, %add3A_439 : i32
      %get3A_441 = arith.index_cast %add3A_440 : i32 to index
      %get3A_442 = tpu.vector_load %arg10[%get3A_441] {strides = array<i32>} : memref<4096xf32, #tpu.memory_space<vmem>>, vector<16xf32>,
      %get3A_443 = vector.shape_cast %get3A_442 : vector<16xf32> to vector<16xf32>
      %gt3A_444 = arith.cmpf ogt, %get3A_436, %select_n3A_417 : vector<16xf32>
      %gt3A_445 = arith.cmpf ogt, %get3A_443, %select_n3A_419 : vector<16xf32>
      %select_n3A_446 = arith.select %gt3A_444, %get3A_436, %select_n3A_417 : vector<16xi1>, vector<16xf32>
      %select_n3A_447 = arith.select %gt3A_444, %add3A_431, %select_n3A_418 : vector<16xi1>, vector<16xi32>
      %select_n3A_448 = arith.select %gt3A_445, %get3A_443, %select_n3A_419 : vector<16xi1>, vector<16xf32>
      %add3A_449 = arith.constant 16 : i32
      %add3A_450 = vector.broadcast %add3A_449 : i32 to vector<16xi32>
      %add3A_451 = arith.addi %add3A_431, %add3A_450 : vector<16xi32>
      %select_n3A_452 = arith.select %gt3A_445, %add3A_451, %select_n3A_423 : vector<16xi1>, vector<16xi32>
      %scan3A_453 = arith.constant 2 : i32
      %scan3A_454 = arith.addi %scan3A_393, %scan3A_453 : i32
      %mul3A_455 = arith.constant 32 : i32
      %mul3A_456 = arith.muli %scan3A_454, %mul3A_455 : i32
      %add3A_457 = arith.constant 24576 : i32
      %add3A_458 = arith.addi %add3A_457, %mul3A_456 : i32
      %add3A_459 = vector.broadcast %add3A_458 : i32 to vector<16xi32>
      %add3A_460 = arith.addi %add3A_459, %iota3A : vector<16xi32>
      %mul3A_461 = arith.constant 32 : i32
      %mul3A_462 = arith.muli %scan3A_454, %mul3A_461 : i32
      %get3A_463 = arith.index_cast %mul3A_462 : i32 to index
      %get3A_464 = tpu.vector_load %arg10[%get3A_463] {strides = array<i32>} : memref<4096xf32, #tpu.memory_space<vmem>>, vector<16xf32>,
      %get3A_465 = vector.shape_cast %get3A_464 : vector<16xf32> to vector<16xf32>
      %mul3A_466 = arith.constant 32 : i32
      %mul3A_467 = arith.muli %scan3A_454, %mul3A_466 : i32
      %add3A_468 = arith.constant 16 : i32
      %add3A_469 = arith.addi %mul3A_467, %add3A_468 : i32
      %get3A_470 = arith.index_cast %add3A_469 : i32 to index
      %get3A_471 = tpu.vector_load %arg10[%get3A_470] {strides = array<i32>} : memref<4096xf32, #tpu.memory_space<vmem>>, vector<16xf32>,
      %get3A_472 = vector.shape_cast %get3A_471 : vector<16xf32> to vector<16xf32>
      %gt3A_473 = arith.cmpf ogt, %get3A_465, %select_n3A_446 : vector<16xf32>
      %gt3A_474 = arith.cmpf ogt, %get3A_472, %select_n3A_448 : vector<16xf32>
      %select_n3A_475 = arith.select %gt3A_473, %get3A_465, %select_n3A_446 : vector<16xi1>, vector<16xf32>
      %select_n3A_476 = arith.select %gt3A_473, %add3A_460, %select_n3A_447 : vector<16xi1>, vector<16xi32>
      %select_n3A_477 = arith.select %gt3A_474, %get3A_472, %select_n3A_448 : vector<16xi1>, vector<16xf32>
      %add3A_478 = arith.constant 16 : i32
      %add3A_479 = vector.broadcast %add3A_478 : i32 to vector<16xi32>
      %add3A_480 = arith.addi %add3A_460, %add3A_479 : vector<16xi32>
      %select_n3A_481 = arith.select %gt3A_474, %add3A_480, %select_n3A_452 : vector<16xi1>, vector<16xi32>
      %scan3A_482 = arith.constant 3 : i32
      %scan3A_483 = arith.addi %scan3A_393, %scan3A_482 : i32
      %mul3A_484 = arith.constant 32 : i32
      %mul3A_485 = arith.muli %scan3A_483, %mul3A_484 : i32
      %add3A_486 = arith.constant 24576 : i32
      %add3A_487 = arith.addi %add3A_486, %mul3A_485 : i32
      %add3A_488 = vector.broadcast %add3A_487 : i32 to vector<16xi32>
      %add3A_489 = arith.addi %add3A_488, %iota3A : vector<16xi32>
      %mul3A_490 = arith.constant 32 : i32
      %mul3A_491 = arith.muli %scan3A_483, %mul3A_490 : i32
      %get3A_492 = arith.index_cast %mul3A_491 : i32 to index
      %get3A_493 = tpu.vector_load %arg10[%get3A_492] {strides = array<i32>} : memref<4096xf32, #tpu.memory_space<vmem>>, vector<16xf32>,
      %get3A_494 = vector.shape_cast %get3A_493 : vector<16xf32> to vector<16xf32>
      %mul3A_495 = arith.constant 32 : i32
      %mul3A_496 = arith.muli %scan3A_483, %mul3A_495 : i32
      %add3A_497 = arith.constant 16 : i32
      %add3A_498 = arith.addi %mul3A_496, %add3A_497 : i32
      %get3A_499 = arith.index_cast %add3A_498 : i32 to index
      %get3A_500 = tpu.vector_load %arg10[%get3A_499] {strides = array<i32>} : memref<4096xf32, #tpu.memory_space<vmem>>, vector<16xf32>,
      %get3A_501 = vector.shape_cast %get3A_500 : vector<16xf32> to vector<16xf32>
      %gt3A_502 = arith.cmpf ogt, %get3A_494, %select_n3A_475 : vector<16xf32>
      %gt3A_503 = arith.cmpf ogt, %get3A_501, %select_n3A_477 : vector<16xf32>
      %select_n3A_504 = arith.select %gt3A_502, %get3A_494, %select_n3A_475 : vector<16xi1>, vector<16xf32>
      %select_n3A_505 = arith.select %gt3A_502, %add3A_489, %select_n3A_476 : vector<16xi1>, vector<16xi32>
      %select_n3A_506 = arith.select %gt3A_503, %get3A_501, %select_n3A_477 : vector<16xi1>, vector<16xf32>
      %add3A_507 = arith.constant 16 : i32
      %add3A_508 = vector.broadcast %add3A_507 : i32 to vector<16xi32>
      %add3A_509 = arith.addi %add3A_489, %add3A_508 : vector<16xi32>
      %select_n3A_510 = arith.select %gt3A_503, %add3A_509, %select_n3A_481 : vector<16xi1>, vector<16xi32>
      scf.yield %select_n3A_504, %select_n3A_505, %select_n3A_506, %select_n3A_510 : vector<16xf32>, vector<16xi32>, vector<16xf32>, vector<16xi32>
    }
    %scan3A_192 = arith.constant 128 : i32
    %dma_wait3A_193 = arith.constant 28672 : i32
    %dma_wait3A_194 = tpu.memref_slice %arg2[%add3A_2, %dma_wait3A_193] : memref<128x32768xf32, #tpu.memory_space<hbm>> -> memref<1x4096xf32, #tpu.memory_space<hbm>>
    %dma_wait3A_195 = tpu.memref_squeeze %dma_wait3A_194 : memref<1x4096xf32, #tpu.memory_space<hbm>> -> memref<4096xf32, #tpu.memory_space<hbm>>
    %dma_wait3A_196 = arith.constant 28672 : i32
    %dma_wait3A_197 = tpu.memref_slice %arg2[%add3A_2, %dma_wait3A_196] : memref<128x32768xf32, #tpu.memory_space<hbm>> -> memref<1x4096xf32, #tpu.memory_space<hbm>>
    %dma_wait3A_198 = tpu.memref_squeeze %dma_wait3A_197 : memref<1x4096xf32, #tpu.memory_space<hbm>> -> memref<4096xf32, #tpu.memory_space<hbm>>
    tpu.wait_dma2 semaphore(%arg21 : memref<!tpu.dma_semaphore, #tpu.memory_space<semaphore_mem>>) src(%dma_wait3A_198 : memref<4096xf32, #tpu.memory_space<hbm>>) dst(%arg11 : memref<4096xf32, #tpu.memory_space<vmem>>)
    %scan3A_199 = arith.constant 0 : i32
    %scan3A_200 = arith.constant 128 : i32
    %scan3A_201 = arith.addi %scan3A_199, %scan3A_200 : i32
    %scan3A_202 = arith.constant 4 : i32
    %scan3A_203:4 = scf.for %scan3A_393 = %scan3A_199 to %scan3A_201 step %scan3A_202 iter_args(%scan3A_394 = %scan3A_191#0, %scan3A_395 = %scan3A_191#1, %scan3A_396 = %scan3A_191#2, %scan3A_397 = %scan3A_191#3) -> (vector<16xf32>, vector<16xi32>, vector<16xf32>, vector<16xi32>)  : i32 {
      %mul3A_398 = arith.constant 32 : i32
      %mul3A_399 = arith.muli %scan3A_393, %mul3A_398 : i32
      %add3A_400 = arith.constant 28672 : i32
      %add3A_401 = arith.addi %add3A_400, %mul3A_399 : i32
      %add3A_402 = vector.broadcast %add3A_401 : i32 to vector<16xi32>
      %add3A_403 = arith.addi %add3A_402, %iota3A : vector<16xi32>
      %mul3A_404 = arith.constant 32 : i32
      %mul3A_405 = arith.muli %scan3A_393, %mul3A_404 : i32
      %get3A = arith.index_cast %mul3A_405 : i32 to index
      %get3A_406 = tpu.vector_load %arg11[%get3A] {strides = array<i32>} : memref<4096xf32, #tpu.memory_space<vmem>>, vector<16xf32>,
      %get3A_407 = vector.shape_cast %get3A_406 : vector<16xf32> to vector<16xf32>
      %mul3A_408 = arith.constant 32 : i32
      %mul3A_409 = arith.muli %scan3A_393, %mul3A_408 : i32
      %add3A_410 = arith.constant 16 : i32
      %add3A_411 = arith.addi %mul3A_409, %add3A_410 : i32
      %get3A_412 = arith.index_cast %add3A_411 : i32 to index
      %get3A_413 = tpu.vector_load %arg11[%get3A_412] {strides = array<i32>} : memref<4096xf32, #tpu.memory_space<vmem>>, vector<16xf32>,
      %get3A_414 = vector.shape_cast %get3A_413 : vector<16xf32> to vector<16xf32>
      %gt3A_415 = arith.cmpf ogt, %get3A_407, %scan3A_394 : vector<16xf32>
      %gt3A_416 = arith.cmpf ogt, %get3A_414, %scan3A_396 : vector<16xf32>
      %select_n3A_417 = arith.select %gt3A_415, %get3A_407, %scan3A_394 : vector<16xi1>, vector<16xf32>
      %select_n3A_418 = arith.select %gt3A_415, %add3A_403, %scan3A_395 : vector<16xi1>, vector<16xi32>
      %select_n3A_419 = arith.select %gt3A_416, %get3A_414, %scan3A_396 : vector<16xi1>, vector<16xf32>
      %add3A_420 = arith.constant 16 : i32
      %add3A_421 = vector.broadcast %add3A_420 : i32 to vector<16xi32>
      %add3A_422 = arith.addi %add3A_403, %add3A_421 : vector<16xi32>
      %select_n3A_423 = arith.select %gt3A_416, %add3A_422, %scan3A_397 : vector<16xi1>, vector<16xi32>
      %scan3A_424 = arith.constant 1 : i32
      %scan3A_425 = arith.addi %scan3A_393, %scan3A_424 : i32
      %mul3A_426 = arith.constant 32 : i32
      %mul3A_427 = arith.muli %scan3A_425, %mul3A_426 : i32
      %add3A_428 = arith.constant 28672 : i32
      %add3A_429 = arith.addi %add3A_428, %mul3A_427 : i32
      %add3A_430 = vector.broadcast %add3A_429 : i32 to vector<16xi32>
      %add3A_431 = arith.addi %add3A_430, %iota3A : vector<16xi32>
      %mul3A_432 = arith.constant 32 : i32
      %mul3A_433 = arith.muli %scan3A_425, %mul3A_432 : i32
      %get3A_434 = arith.index_cast %mul3A_433 : i32 to index
      %get3A_435 = tpu.vector_load %arg11[%get3A_434] {strides = array<i32>} : memref<4096xf32, #tpu.memory_space<vmem>>, vector<16xf32>,
      %get3A_436 = vector.shape_cast %get3A_435 : vector<16xf32> to vector<16xf32>
      %mul3A_437 = arith.constant 32 : i32
      %mul3A_438 = arith.muli %scan3A_425, %mul3A_437 : i32
      %add3A_439 = arith.constant 16 : i32
      %add3A_440 = arith.addi %mul3A_438, %add3A_439 : i32
      %get3A_441 = arith.index_cast %add3A_440 : i32 to index
      %get3A_442 = tpu.vector_load %arg11[%get3A_441] {strides = array<i32>} : memref<4096xf32, #tpu.memory_space<vmem>>, vector<16xf32>,
      %get3A_443 = vector.shape_cast %get3A_442 : vector<16xf32> to vector<16xf32>
      %gt3A_444 = arith.cmpf ogt, %get3A_436, %select_n3A_417 : vector<16xf32>
      %gt3A_445 = arith.cmpf ogt, %get3A_443, %select_n3A_419 : vector<16xf32>
      %select_n3A_446 = arith.select %gt3A_444, %get3A_436, %select_n3A_417 : vector<16xi1>, vector<16xf32>
      %select_n3A_447 = arith.select %gt3A_444, %add3A_431, %select_n3A_418 : vector<16xi1>, vector<16xi32>
      %select_n3A_448 = arith.select %gt3A_445, %get3A_443, %select_n3A_419 : vector<16xi1>, vector<16xf32>
      %add3A_449 = arith.constant 16 : i32
      %add3A_450 = vector.broadcast %add3A_449 : i32 to vector<16xi32>
      %add3A_451 = arith.addi %add3A_431, %add3A_450 : vector<16xi32>
      %select_n3A_452 = arith.select %gt3A_445, %add3A_451, %select_n3A_423 : vector<16xi1>, vector<16xi32>
      %scan3A_453 = arith.constant 2 : i32
      %scan3A_454 = arith.addi %scan3A_393, %scan3A_453 : i32
      %mul3A_455 = arith.constant 32 : i32
      %mul3A_456 = arith.muli %scan3A_454, %mul3A_455 : i32
      %add3A_457 = arith.constant 28672 : i32
      %add3A_458 = arith.addi %add3A_457, %mul3A_456 : i32
      %add3A_459 = vector.broadcast %add3A_458 : i32 to vector<16xi32>
      %add3A_460 = arith.addi %add3A_459, %iota3A : vector<16xi32>
      %mul3A_461 = arith.constant 32 : i32
      %mul3A_462 = arith.muli %scan3A_454, %mul3A_461 : i32
      %get3A_463 = arith.index_cast %mul3A_462 : i32 to index
      %get3A_464 = tpu.vector_load %arg11[%get3A_463] {strides = array<i32>} : memref<4096xf32, #tpu.memory_space<vmem>>, vector<16xf32>,
      %get3A_465 = vector.shape_cast %get3A_464 : vector<16xf32> to vector<16xf32>
      %mul3A_466 = arith.constant 32 : i32
      %mul3A_467 = arith.muli %scan3A_454, %mul3A_466 : i32
      %add3A_468 = arith.constant 16 : i32
      %add3A_469 = arith.addi %mul3A_467, %add3A_468 : i32
      %get3A_470 = arith.index_cast %add3A_469 : i32 to index
      %get3A_471 = tpu.vector_load %arg11[%get3A_470] {strides = array<i32>} : memref<4096xf32, #tpu.memory_space<vmem>>, vector<16xf32>,
      %get3A_472 = vector.shape_cast %get3A_471 : vector<16xf32> to vector<16xf32>
      %gt3A_473 = arith.cmpf ogt, %get3A_465, %select_n3A_446 : vector<16xf32>
      %gt3A_474 = arith.cmpf ogt, %get3A_472, %select_n3A_448 : vector<16xf32>
      %select_n3A_475 = arith.select %gt3A_473, %get3A_465, %select_n3A_446 : vector<16xi1>, vector<16xf32>
      %select_n3A_476 = arith.select %gt3A_473, %add3A_460, %select_n3A_447 : vector<16xi1>, vector<16xi32>
      %select_n3A_477 = arith.select %gt3A_474, %get3A_472, %select_n3A_448 : vector<16xi1>, vector<16xf32>
      %add3A_478 = arith.constant 16 : i32
      %add3A_479 = vector.broadcast %add3A_478 : i32 to vector<16xi32>
      %add3A_480 = arith.addi %add3A_460, %add3A_479 : vector<16xi32>
      %select_n3A_481 = arith.select %gt3A_474, %add3A_480, %select_n3A_452 : vector<16xi1>, vector<16xi32>
      %scan3A_482 = arith.constant 3 : i32
      %scan3A_483 = arith.addi %scan3A_393, %scan3A_482 : i32
      %mul3A_484 = arith.constant 32 : i32
      %mul3A_485 = arith.muli %scan3A_483, %mul3A_484 : i32
      %add3A_486 = arith.constant 28672 : i32
      %add3A_487 = arith.addi %add3A_486, %mul3A_485 : i32
      %add3A_488 = vector.broadcast %add3A_487 : i32 to vector<16xi32>
      %add3A_489 = arith.addi %add3A_488, %iota3A : vector<16xi32>
      %mul3A_490 = arith.constant 32 : i32
      %mul3A_491 = arith.muli %scan3A_483, %mul3A_490 : i32
      %get3A_492 = arith.index_cast %mul3A_491 : i32 to index
      %get3A_493 = tpu.vector_load %arg11[%get3A_492] {strides = array<i32>} : memref<4096xf32, #tpu.memory_space<vmem>>, vector<16xf32>,
      %get3A_494 = vector.shape_cast %get3A_493 : vector<16xf32> to vector<16xf32>
      %mul3A_495 = arith.constant 32 : i32
      %mul3A_496 = arith.muli %scan3A_483, %mul3A_495 : i32
      %add3A_497 = arith.constant 16 : i32
      %add3A_498 = arith.addi %mul3A_496, %add3A_497 : i32
      %get3A_499 = arith.index_cast %add3A_498 : i32 to index
      %get3A_500 = tpu.vector_load %arg11[%get3A_499] {strides = array<i32>} : memref<4096xf32, #tpu.memory_space<vmem>>, vector<16xf32>,
      %get3A_501 = vector.shape_cast %get3A_500 : vector<16xf32> to vector<16xf32>
      %gt3A_502 = arith.cmpf ogt, %get3A_494, %select_n3A_475 : vector<16xf32>
      %gt3A_503 = arith.cmpf ogt, %get3A_501, %select_n3A_477 : vector<16xf32>
      %select_n3A_504 = arith.select %gt3A_502, %get3A_494, %select_n3A_475 : vector<16xi1>, vector<16xf32>
      %select_n3A_505 = arith.select %gt3A_502, %add3A_489, %select_n3A_476 : vector<16xi1>, vector<16xi32>
      %select_n3A_506 = arith.select %gt3A_503, %get3A_501, %select_n3A_477 : vector<16xi1>, vector<16xf32>
      %add3A_507 = arith.constant 16 : i32
      %add3A_508 = vector.broadcast %add3A_507 : i32 to vector<16xi32>
      %add3A_509 = arith.addi %add3A_489, %add3A_508 : vector<16xi32>
      %select_n3A_510 = arith.select %gt3A_503, %add3A_509, %select_n3A_481 : vector<16xi1>, vector<16xi32>
      scf.yield %select_n3A_504, %select_n3A_505, %select_n3A_506, %select_n3A_510 : vector<16xf32>, vector<16xi32>, vector<16xf32>, vector<16xi32>
    }
    %scan3A_204 = arith.constant 128 : i32
    %gt3A = arith.cmpf ogt, %scan3A_203#2, %scan3A_203#0 : vector<16xf32>
    %eq3A = arith.cmpf oeq, %scan3A_203#2, %scan3A_203#0 : vector<16xf32>
    %lt3A = arith.cmpi slt, %scan3A_203#3, %scan3A_203#1 : vector<16xi32>
    %and3A = arith.andi %eq3A, %lt3A : vector<16xi1>
    %or3A = arith.ori %gt3A, %and3A : vector<16xi1>
    %select_n3A = arith.select %or3A, %scan3A_203#2, %scan3A_203#0 : vector<16xi1>, vector<16xf32>
    %select_n3A_205 = arith.select %or3A, %scan3A_203#3, %scan3A_203#1 : vector<16xi1>, vector<16xi32>
    %xor3A = arith.constant 8 : i32
    %xor3A_206 = vector.broadcast %xor3A : i32 to vector<16xi32>
    %xor3A_207 = arith.xori %iota3A, %xor3A_206 : vector<16xi32>
    %lt3A_208 = arith.constant 0 : i32
    %lt3A_209 = vector.broadcast %lt3A_208 : i32 to vector<16xi32>
    %lt3A_210 = arith.cmpi slt, %xor3A_207, %lt3A_209 : vector<16xi32>
    %add3A_211 = arith.constant 16 : i32
    %add3A_212 = vector.broadcast %add3A_211 : i32 to vector<16xi32>
    %add3A_213 = arith.addi %xor3A_207, %add3A_212 : vector<16xi32>
    %select_n3A_214 = arith.select %lt3A_210, %add3A_213, %xor3A_207 : vector<16xi1>, vector<16xi32>
    %broadcast_in_dim3A_215 = vector.shape_cast %select_n3A_214 : vector<16xi32> to vector<16x1xi32>
    %gather3A = vector.shape_cast %broadcast_in_dim3A_215 : vector<16x1xi32> to vector<16xi32>
    %gather3A_216 = tpu.dynamic_gather %select_n3A[%gather3A] in [0] : vector<16xf32>, vector<16xi32> -> vector<16xf32>
    %lt3A_217 = arith.constant 0 : i32
    %lt3A_218 = vector.broadcast %lt3A_217 : i32 to vector<16xi32>
    %lt3A_219 = arith.cmpi slt, %xor3A_207, %lt3A_218 : vector<16xi32>
    %add3A_220 = arith.constant 16 : i32
    %add3A_221 = vector.broadcast %add3A_220 : i32 to vector<16xi32>
    %add3A_222 = arith.addi %xor3A_207, %add3A_221 : vector<16xi32>
    %select_n3A_223 = arith.select %lt3A_219, %add3A_222, %xor3A_207 : vector<16xi1>, vector<16xi32>
    %broadcast_in_dim3A_224 = vector.shape_cast %select_n3A_223 : vector<16xi32> to vector<16x1xi32>
    %gather3A_225 = vector.shape_cast %broadcast_in_dim3A_224 : vector<16x1xi32> to vector<16xi32>
    %gather3A_226 = tpu.dynamic_gather %select_n3A_205[%gather3A_225] in [0] : vector<16xi32>, vector<16xi32> -> vector<16xi32>
    %gt3A_227 = arith.cmpf ogt, %gather3A_216, %select_n3A : vector<16xf32>
    %eq3A_228 = arith.cmpf oeq, %gather3A_216, %select_n3A : vector<16xf32>
    %lt3A_229 = arith.cmpi slt, %gather3A_226, %select_n3A_205 : vector<16xi32>
    %and3A_230 = arith.andi %eq3A_228, %lt3A_229 : vector<16xi1>
    %or3A_231 = arith.ori %gt3A_227, %and3A_230 : vector<16xi1>
    %select_n3A_232 = arith.select %or3A_231, %gather3A_216, %select_n3A : vector<16xi1>, vector<16xf32>
    %select_n3A_233 = arith.select %or3A_231, %gather3A_226, %select_n3A_205 : vector<16xi1>, vector<16xi32>
    %xor3A_234 = arith.constant 4 : i32
    %xor3A_235 = vector.broadcast %xor3A_234 : i32 to vector<16xi32>
    %xor3A_236 = arith.xori %iota3A, %xor3A_235 : vector<16xi32>
    %lt3A_237 = arith.constant 0 : i32
    %lt3A_238 = vector.broadcast %lt3A_237 : i32 to vector<16xi32>
    %lt3A_239 = arith.cmpi slt, %xor3A_236, %lt3A_238 : vector<16xi32>
    %add3A_240 = arith.constant 16 : i32
    %add3A_241 = vector.broadcast %add3A_240 : i32 to vector<16xi32>
    %add3A_242 = arith.addi %xor3A_236, %add3A_241 : vector<16xi32>
    %select_n3A_243 = arith.select %lt3A_239, %add3A_242, %xor3A_236 : vector<16xi1>, vector<16xi32>
    %broadcast_in_dim3A_244 = vector.shape_cast %select_n3A_243 : vector<16xi32> to vector<16x1xi32>
    %gather3A_245 = vector.shape_cast %broadcast_in_dim3A_244 : vector<16x1xi32> to vector<16xi32>
    %gather3A_246 = tpu.dynamic_gather %select_n3A_232[%gather3A_245] in [0] : vector<16xf32>, vector<16xi32> -> vector<16xf32>
    %lt3A_247 = arith.constant 0 : i32
    %lt3A_248 = vector.broadcast %lt3A_247 : i32 to vector<16xi32>
    %lt3A_249 = arith.cmpi slt, %xor3A_236, %lt3A_248 : vector<16xi32>
    %add3A_250 = arith.constant 16 : i32
    %add3A_251 = vector.broadcast %add3A_250 : i32 to vector<16xi32>
    %add3A_252 = arith.addi %xor3A_236, %add3A_251 : vector<16xi32>
    %select_n3A_253 = arith.select %lt3A_249, %add3A_252, %xor3A_236 : vector<16xi1>, vector<16xi32>
    %broadcast_in_dim3A_254 = vector.shape_cast %select_n3A_253 : vector<16xi32> to vector<16x1xi32>
    %gather3A_255 = vector.shape_cast %broadcast_in_dim3A_254 : vector<16x1xi32> to vector<16xi32>
    %gather3A_256 = tpu.dynamic_gather %select_n3A_233[%gather3A_255] in [0] : vector<16xi32>, vector<16xi32> -> vector<16xi32>
    %gt3A_257 = arith.cmpf ogt, %gather3A_246, %select_n3A_232 : vector<16xf32>
    %eq3A_258 = arith.cmpf oeq, %gather3A_246, %select_n3A_232 : vector<16xf32>
    %lt3A_259 = arith.cmpi slt, %gather3A_256, %select_n3A_233 : vector<16xi32>
    %and3A_260 = arith.andi %eq3A_258, %lt3A_259 : vector<16xi1>
    %or3A_261 = arith.ori %gt3A_257, %and3A_260 : vector<16xi1>
    %select_n3A_262 = arith.select %or3A_261, %gather3A_246, %select_n3A_232 : vector<16xi1>, vector<16xf32>
    %select_n3A_263 = arith.select %or3A_261, %gather3A_256, %select_n3A_233 : vector<16xi1>, vector<16xi32>
    %xor3A_264 = arith.constant 2 : i32
    %xor3A_265 = vector.broadcast %xor3A_264 : i32 to vector<16xi32>
    %xor3A_266 = arith.xori %iota3A, %xor3A_265 : vector<16xi32>
    %lt3A_267 = arith.constant 0 : i32
    %lt3A_268 = vector.broadcast %lt3A_267 : i32 to vector<16xi32>
    %lt3A_269 = arith.cmpi slt, %xor3A_266, %lt3A_268 : vector<16xi32>
    %add3A_270 = arith.constant 16 : i32
    %add3A_271 = vector.broadcast %add3A_270 : i32 to vector<16xi32>
    %add3A_272 = arith.addi %xor3A_266, %add3A_271 : vector<16xi32>
    %select_n3A_273 = arith.select %lt3A_269, %add3A_272, %xor3A_266 : vector<16xi1>, vector<16xi32>
    %broadcast_in_dim3A_274 = vector.shape_cast %select_n3A_273 : vector<16xi32> to vector<16x1xi32>
    %gather3A_275 = vector.shape_cast %broadcast_in_dim3A_274 : vector<16x1xi32> to vector<16xi32>
    %gather3A_276 = tpu.dynamic_gather %select_n3A_262[%gather3A_275] in [0] : vector<16xf32>, vector<16xi32> -> vector<16xf32>
    %lt3A_277 = arith.constant 0 : i32
    %lt3A_278 = vector.broadcast %lt3A_277 : i32 to vector<16xi32>
    %lt3A_279 = arith.cmpi slt, %xor3A_266, %lt3A_278 : vector<16xi32>
    %add3A_280 = arith.constant 16 : i32
    %add3A_281 = vector.broadcast %add3A_280 : i32 to vector<16xi32>
    %add3A_282 = arith.addi %xor3A_266, %add3A_281 : vector<16xi32>
    %select_n3A_283 = arith.select %lt3A_279, %add3A_282, %xor3A_266 : vector<16xi1>, vector<16xi32>
    %broadcast_in_dim3A_284 = vector.shape_cast %select_n3A_283 : vector<16xi32> to vector<16x1xi32>
    %gather3A_285 = vector.shape_cast %broadcast_in_dim3A_284 : vector<16x1xi32> to vector<16xi32>
    %gather3A_286 = tpu.dynamic_gather %select_n3A_263[%gather3A_285] in [0] : vector<16xi32>, vector<16xi32> -> vector<16xi32>
    %gt3A_287 = arith.cmpf ogt, %gather3A_276, %select_n3A_262 : vector<16xf32>
    %eq3A_288 = arith.cmpf oeq, %gather3A_276, %select_n3A_262 : vector<16xf32>
    %lt3A_289 = arith.cmpi slt, %gather3A_286, %select_n3A_263 : vector<16xi32>
    %and3A_290 = arith.andi %eq3A_288, %lt3A_289 : vector<16xi1>
    %or3A_291 = arith.ori %gt3A_287, %and3A_290 : vector<16xi1>
    %select_n3A_292 = arith.select %or3A_291, %gather3A_276, %select_n3A_262 : vector<16xi1>, vector<16xf32>
    %select_n3A_293 = arith.select %or3A_291, %gather3A_286, %select_n3A_263 : vector<16xi1>, vector<16xi32>
    %xor3A_294 = arith.constant 1 : i32
    %xor3A_295 = vector.broadcast %xor3A_294 : i32 to vector<16xi32>
    %xor3A_296 = arith.xori %iota3A, %xor3A_295 : vector<16xi32>
    %lt3A_297 = arith.constant 0 : i32
    %lt3A_298 = vector.broadcast %lt3A_297 : i32 to vector<16xi32>
    %lt3A_299 = arith.cmpi slt, %xor3A_296, %lt3A_298 : vector<16xi32>
    %add3A_300 = arith.constant 16 : i32
    %add3A_301 = vector.broadcast %add3A_300 : i32 to vector<16xi32>
    %add3A_302 = arith.addi %xor3A_296, %add3A_301 : vector<16xi32>
    %select_n3A_303 = arith.select %lt3A_299, %add3A_302, %xor3A_296 : vector<16xi1>, vector<16xi32>
    %broadcast_in_dim3A_304 = vector.shape_cast %select_n3A_303 : vector<16xi32> to vector<16x1xi32>
    %gather3A_305 = vector.shape_cast %broadcast_in_dim3A_304 : vector<16x1xi32> to vector<16xi32>
    %gather3A_306 = tpu.dynamic_gather %select_n3A_292[%gather3A_305] in [0] : vector<16xf32>, vector<16xi32> -> vector<16xf32>
    %lt3A_307 = arith.constant 0 : i32
    %lt3A_308 = vector.broadcast %lt3A_307 : i32 to vector<16xi32>
    %lt3A_309 = arith.cmpi slt, %xor3A_296, %lt3A_308 : vector<16xi32>
    %add3A_310 = arith.constant 16 : i32
    %add3A_311 = vector.broadcast %add3A_310 : i32 to vector<16xi32>
    %add3A_312 = arith.addi %xor3A_296, %add3A_311 : vector<16xi32>
    %select_n3A_313 = arith.select %lt3A_309, %add3A_312, %xor3A_296 : vector<16xi1>, vector<16xi32>
    %broadcast_in_dim3A_314 = vector.shape_cast %select_n3A_313 : vector<16xi32> to vector<16x1xi32>
    %gather3A_315 = vector.shape_cast %broadcast_in_dim3A_314 : vector<16x1xi32> to vector<16xi32>
    %gather3A_316 = tpu.dynamic_gather %select_n3A_293[%gather3A_315] in [0] : vector<16xi32>, vector<16xi32> -> vector<16xi32>
    %gt3A_317 = arith.cmpf ogt, %gather3A_306, %select_n3A_292 : vector<16xf32>
    %eq3A_318 = arith.cmpf oeq, %gather3A_306, %select_n3A_292 : vector<16xf32>
    %lt3A_319 = arith.cmpi slt, %gather3A_316, %select_n3A_293 : vector<16xi32>
    %and3A_320 = arith.andi %eq3A_318, %lt3A_319 : vector<16xi1>
    %or3A_321 = arith.ori %gt3A_317, %and3A_320 : vector<16xi1>
    %select_n3A_322 = arith.select %or3A_321, %gather3A_306, %select_n3A_292 : vector<16xi1>, vector<16xf32>
    %select_n3A_323 = arith.select %or3A_321, %gather3A_316, %select_n3A_293 : vector<16xi1>, vector<16xi32>
    %slice3A = vector.extract_strided_slice %select_n3A_323 {offsets = [0], sizes = [1], strides = [1]} : vector<16xi32> to vector<1xi32>
    %squeeze3A = vector.extract %slice3A[0] : i32 from vector<1xi32>
    %and3A_324 = arith.constant 15 : i32
    %and3A_325 = arith.andi %squeeze3A, %and3A_324 : i32
    %and3A_326 = arith.constant -16 : i32
    %and3A_327 = arith.andi %squeeze3A, %and3A_326 : i32
    %multiple_of3A = tpu.assume_multiple %and3A_327, 16 : i32
    %eq3A_328 = vector.broadcast %and3A_325 : i32 to vector<16xi32>
    %eq3A_329 = arith.cmpi eq, %iota3A, %eq3A_328 : vector<16xi32>
    %jit3A = arith.constant 1.000000e+00 : f32
    %jit3A_330 = arith.constant 0.000000e+00 : f32
    %broadcast_in_dim3A_331 = vector.broadcast %jit3A : f32 to vector<16xf32>
    %broadcast_in_dim3A_332 = vector.broadcast %jit3A_330 : f32 to vector<16xf32>
    %select_n3A_333 = arith.select %eq3A_329, %broadcast_in_dim3A_331, %broadcast_in_dim3A_332 : vector<16xi1>, vector<16xf32>
    %swap3A = arith.constant 0 : index
    %swap3A_334 = tpu.vector_load %arg13[%swap3A] {strides = array<i32>} : memref<16xf32, #tpu.memory_space<vmem>>, vector<16xf32>,
    %swap3A_335 = vector.shape_cast %swap3A_334 : vector<16xf32> to vector<16xf32>
    %swap3A_336 = vector.shape_cast %select_n3A_333 : vector<16xf32> to vector<16xf32>
    tpu.vector_store %arg13[%swap3A], %swap3A_336 {strides = array<i32>} : memref<16xf32, #tpu.memory_space<vmem>>, vector<16xf32>,
    %dma_wait3A_337 = arith.constant 0 : i32
    %dma_wait3A_338 = tpu.memref_slice %arg3[%add3A_2, %dma_wait3A_337] : memref<128x32768xf32, #tpu.memory_space<hbm>> -> memref<1x4096xf32, #tpu.memory_space<hbm>>
    %dma_wait3A_339 = tpu.memref_squeeze %dma_wait3A_338 : memref<1x4096xf32, #tpu.memory_space<hbm>> -> memref<4096xf32, #tpu.memory_space<hbm>>
    %dma_wait3A_340 = arith.constant 0 : i32
    %dma_wait3A_341 = tpu.memref_slice %arg3[%add3A_2, %dma_wait3A_340] : memref<128x32768xf32, #tpu.memory_space<hbm>> -> memref<1x4096xf32, #tpu.memory_space<hbm>>
    %dma_wait3A_342 = tpu.memref_squeeze %dma_wait3A_341 : memref<1x4096xf32, #tpu.memory_space<hbm>> -> memref<4096xf32, #tpu.memory_space<hbm>>
    tpu.wait_dma2 semaphore(%arg22 : memref<!tpu.dma_semaphore, #tpu.memory_space<semaphore_mem>>) src(%arg12 : memref<4096xf32, #tpu.memory_space<vmem>>) dst(%dma_wait3A_342 : memref<4096xf32, #tpu.memory_space<hbm>>)
    %dma_wait3A_343 = arith.constant 4096 : i32
    %dma_wait3A_344 = tpu.memref_slice %arg3[%add3A_2, %dma_wait3A_343] : memref<128x32768xf32, #tpu.memory_space<hbm>> -> memref<1x4096xf32, #tpu.memory_space<hbm>>
    %dma_wait3A_345 = tpu.memref_squeeze %dma_wait3A_344 : memref<1x4096xf32, #tpu.memory_space<hbm>> -> memref<4096xf32, #tpu.memory_space<hbm>>
    %dma_wait3A_346 = arith.constant 4096 : i32
    %dma_wait3A_347 = tpu.memref_slice %arg3[%add3A_2, %dma_wait3A_346] : memref<128x32768xf32, #tpu.memory_space<hbm>> -> memref<1x4096xf32, #tpu.memory_space<hbm>>
    %dma_wait3A_348 = tpu.memref_squeeze %dma_wait3A_347 : memref<1x4096xf32, #tpu.memory_space<hbm>> -> memref<4096xf32, #tpu.memory_space<hbm>>
    tpu.wait_dma2 semaphore(%arg22 : memref<!tpu.dma_semaphore, #tpu.memory_space<semaphore_mem>>) src(%arg12 : memref<4096xf32, #tpu.memory_space<vmem>>) dst(%dma_wait3A_348 : memref<4096xf32, #tpu.memory_space<hbm>>)
    %dma_wait3A_349 = arith.constant 8192 : i32
    %dma_wait3A_350 = tpu.memref_slice %arg3[%add3A_2, %dma_wait3A_349] : memref<128x32768xf32, #tpu.memory_space<hbm>> -> memref<1x4096xf32, #tpu.memory_space<hbm>>
    %dma_wait3A_351 = tpu.memref_squeeze %dma_wait3A_350 : memref<1x4096xf32, #tpu.memory_space<hbm>> -> memref<4096xf32, #tpu.memory_space<hbm>>
    %dma_wait3A_352 = arith.constant 8192 : i32
    %dma_wait3A_353 = tpu.memref_slice %arg3[%add3A_2, %dma_wait3A_352] : memref<128x32768xf32, #tpu.memory_space<hbm>> -> memref<1x4096xf32, #tpu.memory_space<hbm>>
    %dma_wait3A_354 = tpu.memref_squeeze %dma_wait3A_353 : memref<1x4096xf32, #tpu.memory_space<hbm>> -> memref<4096xf32, #tpu.memory_space<hbm>>
    tpu.wait_dma2 semaphore(%arg22 : memref<!tpu.dma_semaphore, #tpu.memory_space<semaphore_mem>>) src(%arg12 : memref<4096xf32, #tpu.memory_space<vmem>>) dst(%dma_wait3A_354 : memref<4096xf32, #tpu.memory_space<hbm>>)
    %dma_wait3A_355 = arith.constant 12288 : i32
    %dma_wait3A_356 = tpu.memref_slice %arg3[%add3A_2, %dma_wait3A_355] : memref<128x32768xf32, #tpu.memory_space<hbm>> -> memref<1x4096xf32, #tpu.memory_space<hbm>>
    %dma_wait3A_357 = tpu.memref_squeeze %dma_wait3A_356 : memref<1x4096xf32, #tpu.memory_space<hbm>> -> memref<4096xf32, #tpu.memory_space<hbm>>
    %dma_wait3A_358 = arith.constant 12288 : i32
    %dma_wait3A_359 = tpu.memref_slice %arg3[%add3A_2, %dma_wait3A_358] : memref<128x32768xf32, #tpu.memory_space<hbm>> -> memref<1x4096xf32, #tpu.memory_space<hbm>>
    %dma_wait3A_360 = tpu.memref_squeeze %dma_wait3A_359 : memref<1x4096xf32, #tpu.memory_space<hbm>> -> memref<4096xf32, #tpu.memory_space<hbm>>
    tpu.wait_dma2 semaphore(%arg22 : memref<!tpu.dma_semaphore, #tpu.memory_space<semaphore_mem>>) src(%arg12 : memref<4096xf32, #tpu.memory_space<vmem>>) dst(%dma_wait3A_360 : memref<4096xf32, #tpu.memory_space<hbm>>)
    %dma_wait3A_361 = arith.constant 16384 : i32
    %dma_wait3A_362 = tpu.memref_slice %arg3[%add3A_2, %dma_wait3A_361] : memref<128x32768xf32, #tpu.memory_space<hbm>> -> memref<1x4096xf32, #tpu.memory_space<hbm>>
    %dma_wait3A_363 = tpu.memref_squeeze %dma_wait3A_362 : memref<1x4096xf32, #tpu.memory_space<hbm>> -> memref<4096xf32, #tpu.memory_space<hbm>>
    %dma_wait3A_364 = arith.constant 16384 : i32
    %dma_wait3A_365 = tpu.memref_slice %arg3[%add3A_2, %dma_wait3A_364] : memref<128x32768xf32, #tpu.memory_space<hbm>> -> memref<1x4096xf32, #tpu.memory_space<hbm>>
    %dma_wait3A_366 = tpu.memref_squeeze %dma_wait3A_365 : memref<1x4096xf32, #tpu.memory_space<hbm>> -> memref<4096xf32, #tpu.memory_space<hbm>>
    tpu.wait_dma2 semaphore(%arg22 : memref<!tpu.dma_semaphore, #tpu.memory_space<semaphore_mem>>) src(%arg12 : memref<4096xf32, #tpu.memory_space<vmem>>) dst(%dma_wait3A_366 : memref<4096xf32, #tpu.memory_space<hbm>>)
    %dma_wait3A_367 = arith.constant 20480 : i32
    %dma_wait3A_368 = tpu.memref_slice %arg3[%add3A_2, %dma_wait3A_367] : memref<128x32768xf32, #tpu.memory_space<hbm>> -> memref<1x4096xf32, #tpu.memory_space<hbm>>
    %dma_wait3A_369 = tpu.memref_squeeze %dma_wait3A_368 : memref<1x4096xf32, #tpu.memory_space<hbm>> -> memref<4096xf32, #tpu.memory_space<hbm>>
    %dma_wait3A_370 = arith.constant 20480 : i32
    %dma_wait3A_371 = tpu.memref_slice %arg3[%add3A_2, %dma_wait3A_370] : memref<128x32768xf32, #tpu.memory_space<hbm>> -> memref<1x4096xf32, #tpu.memory_space<hbm>>
    %dma_wait3A_372 = tpu.memref_squeeze %dma_wait3A_371 : memref<1x4096xf32, #tpu.memory_space<hbm>> -> memref<4096xf32, #tpu.memory_space<hbm>>
    tpu.wait_dma2 semaphore(%arg22 : memref<!tpu.dma_semaphore, #tpu.memory_space<semaphore_mem>>) src(%arg12 : memref<4096xf32, #tpu.memory_space<vmem>>) dst(%dma_wait3A_372 : memref<4096xf32, #tpu.memory_space<hbm>>)
    %dma_wait3A_373 = arith.constant 24576 : i32
    %dma_wait3A_374 = tpu.memref_slice %arg3[%add3A_2, %dma_wait3A_373] : memref<128x32768xf32, #tpu.memory_space<hbm>> -> memref<1x4096xf32, #tpu.memory_space<hbm>>
    %dma_wait3A_375 = tpu.memref_squeeze %dma_wait3A_374 : memref<1x4096xf32, #tpu.memory_space<hbm>> -> memref<4096xf32, #tpu.memory_space<hbm>>
    %dma_wait3A_376 = arith.constant 24576 : i32
    %dma_wait3A_377 = tpu.memref_slice %arg3[%add3A_2, %dma_wait3A_376] : memref<128x32768xf32, #tpu.memory_space<hbm>> -> memref<1x4096xf32, #tpu.memory_space<hbm>>
    %dma_wait3A_378 = tpu.memref_squeeze %dma_wait3A_377 : memref<1x4096xf32, #tpu.memory_space<hbm>> -> memref<4096xf32, #tpu.memory_space<hbm>>
    tpu.wait_dma2 semaphore(%arg22 : memref<!tpu.dma_semaphore, #tpu.memory_space<semaphore_mem>>) src(%arg12 : memref<4096xf32, #tpu.memory_space<vmem>>) dst(%dma_wait3A_378 : memref<4096xf32, #tpu.memory_space<hbm>>)
    %dma_wait3A_379 = arith.constant 28672 : i32
    %dma_wait3A_380 = tpu.memref_slice %arg3[%add3A_2, %dma_wait3A_379] : memref<128x32768xf32, #tpu.memory_space<hbm>> -> memref<1x4096xf32, #tpu.memory_space<hbm>>
    %dma_wait3A_381 = tpu.memref_squeeze %dma_wait3A_380 : memref<1x4096xf32, #tpu.memory_space<hbm>> -> memref<4096xf32, #tpu.memory_space<hbm>>
    %dma_wait3A_382 = arith.constant 28672 : i32
    %dma_wait3A_383 = tpu.memref_slice %arg3[%add3A_2, %dma_wait3A_382] : memref<128x32768xf32, #tpu.memory_space<hbm>> -> memref<1x4096xf32, #tpu.memory_space<hbm>>
    %dma_wait3A_384 = tpu.memref_squeeze %dma_wait3A_383 : memref<1x4096xf32, #tpu.memory_space<hbm>> -> memref<4096xf32, #tpu.memory_space<hbm>>
    tpu.wait_dma2 semaphore(%arg22 : memref<!tpu.dma_semaphore, #tpu.memory_space<semaphore_mem>>) src(%arg12 : memref<4096xf32, #tpu.memory_space<vmem>>) dst(%dma_wait3A_384 : memref<4096xf32, #tpu.memory_space<hbm>>)
    %dma_start3A_385 = tpu.memref_slice %arg3[%add3A_2, %multiple_of3A] : memref<128x32768xf32, #tpu.memory_space<hbm>> -> memref<1x16xf32, #tpu.memory_space<hbm>>
    %dma_start3A_386 = tpu.memref_squeeze %dma_start3A_385 : memref<1x16xf32, #tpu.memory_space<hbm>> -> memref<16xf32, #tpu.memory_space<hbm>>
    %dma_start3A_387 = tpu.memref_slice %arg3[%add3A_2, %multiple_of3A] : memref<128x32768xf32, #tpu.memory_space<hbm>> -> memref<1x16xf32, #tpu.memory_space<hbm>>
    %dma_start3A_388 = tpu.memref_squeeze %dma_start3A_387 : memref<1x16xf32, #tpu.memory_space<hbm>> -> memref<16xf32, #tpu.memory_space<hbm>>
    tpu.enqueue_dma source(%arg13 : memref<16xf32, #tpu.memory_space<vmem>>) target(%dma_start3A_388 : memref<16xf32, #tpu.memory_space<hbm>>) target_semaphore(%arg23 : memref<!tpu.dma_semaphore, #tpu.memory_space<semaphore_mem>>)
    %dma_wait3A_389 = tpu.memref_slice %arg3[%add3A_2, %multiple_of3A] : memref<128x32768xf32, #tpu.memory_space<hbm>> -> memref<1x16xf32, #tpu.memory_space<hbm>>
    %dma_wait3A_390 = tpu.memref_squeeze %dma_wait3A_389 : memref<1x16xf32, #tpu.memory_space<hbm>> -> memref<16xf32, #tpu.memory_space<hbm>>
    %dma_wait3A_391 = tpu.memref_slice %arg3[%add3A_2, %multiple_of3A] : memref<128x32768xf32, #tpu.memory_space<hbm>> -> memref<1x16xf32, #tpu.memory_space<hbm>>
    %dma_wait3A_392 = tpu.memref_squeeze %dma_wait3A_391 : memref<1x16xf32, #tpu.memory_space<hbm>> -> memref<16xf32, #tpu.memory_space<hbm>>
    tpu.wait_dma2 semaphore(%arg23 : memref<!tpu.dma_semaphore, #tpu.memory_space<semaphore_mem>>) src(%arg13 : memref<16xf32, #tpu.memory_space<vmem>>) dst(%dma_wait3A_392 : memref<16xf32, #tpu.memory_space<hbm>>)
    return
  }
}

module attributes {stable_mosaic.version = 14 : i64} {
  func.func @_tc_argmax_block(%arg0: i32, %arg1: memref<48x32768xf32, #tpu.memory_space<vmem>>, %arg2: memref<1x1x48xi32, #tpu.memory_space<vmem>>) attributes {dimension_semantics = [#tpu.dimension_semantics<arbitrary>], iteration_bounds = array<i64: 2>, scalar_prefetch = 0 : i64, scratch_operands = 0 : i64, tpu.core_type = #tpu.core_type<tc>, window_params = [{transform_indices = @transform_0, window_bounds = array<i64: 48, 32768>}, {transform_indices = @transform_1, window_bounds = array<i64: 1, 1, 48>}]} {
    %get3A = arith.constant 0 : index
    %get3A_0 = arith.constant 0 : index
    %get3A_1 = vector.load %arg1[%get3A, %get3A_0] : memref<48x32768xf32, #tpu.memory_space<vmem>>, vector<48x32768xf32>
    %iota3A = tpu.iota {dimensions = array<i32: 1>} : vector<48x32768xi32>
    %reduce_max3A = arith.constant dense<0xFF800000> : vector<48xf32>
    %reduce_max3A_2 = vector.multi_reduction <maximumf>, %get3A_1, %reduce_max3A [1] : vector<48x32768xf32> to vector<48xf32>
    %broadcast_in_dim3A = vector.shape_cast %reduce_max3A_2 : vector<48xf32> to vector<48x1xf32>
    %eq3A = vector.broadcast %broadcast_in_dim3A : vector<48x1xf32> to vector<48x32768xf32>
    %eq3A_3 = arith.cmpf oeq, %get3A_1, %eq3A : vector<48x32768xf32>
    %jit3A = arith.constant 32768 : i32
    %broadcast_in_dim3A_4 = vector.broadcast %jit3A : i32 to vector<48x32768xi32>
    %select_n3A = arith.select %eq3A_3, %iota3A, %broadcast_in_dim3A_4 : vector<48x32768xi1>, vector<48x32768xi32>
    %reduce_min3A = arith.constant dense<2147483647> : vector<48xi32>
    %reduce_min3A_5 = vector.multi_reduction <minsi>, %select_n3A, %reduce_min3A [1] : vector<48x32768xi32> to vector<48xi32>
    %reshape3A = vector.shape_cast %reduce_min3A_5 : vector<48xi32> to vector<1x1x48xi32>
    %swap3A = arith.constant 0 : index
    %swap3A_6 = arith.constant 0 : index
    %swap3A_7 = arith.constant 0 : index
    %swap3A_8 = vector.load %arg2[%swap3A, %swap3A_6, %swap3A_7] : memref<1x1x48xi32, #tpu.memory_space<vmem>>, vector<1x1x48xi32>
    tpu.vector_store %arg2[%swap3A, %swap3A_6, %swap3A_7], %reshape3A {strides = array<i32>} : memref<1x1x48xi32, #tpu.memory_space<vmem>>, vector<1x1x48xi32>,
    return
  }
  func.func @transform_0(%arg0: i32) -> (i32, i32) {
    %c0_i32 = arith.constant 0 : i32
    %c0_i32_0 = arith.constant 0 : i32
    return %arg0, %c0_i32 : i32, i32
  }
  func.func @transform_1(%arg0: i32) -> (i32, i32, i32) {
    %c0_i32 = arith.constant 0 : i32
    %c0_i32_0 = arith.constant 0 : i32
    %c0_i32_1 = arith.constant 0 : i32
    return %arg0, %c0_i32, %c0_i32_0 : i32, i32, i32
  }
}

module attributes {stable_mosaic.version = 14 : i64} {
  func.func @_onehot_block(%arg0: i32, %arg1: memref<2x1x48xi32, #tpu.memory_space<smem>>, %arg2: memref<128x32768xf32, #tpu.memory_space<any>>, %arg3: memref<48x32768xf32, #tpu.memory_space<vmem>>) attributes {dimension_semantics = [#tpu.dimension_semantics<arbitrary>], iteration_bounds = array<i64: 2>, scalar_prefetch = 0 : i64, scratch_operands = 0 : i64, tpu.core_type = #tpu.core_type<tc>, window_params = [{transform_indices = @transform_0, window_bounds = array<i64: 2, 1, 48>}, {}, {transform_indices = @transform_2, window_bounds = array<i64: 48, 32768>}]} {
    %iota3A = tpu.iota {dimensions = array<i32: 1>} : vector<48x32768xi32>
    %get3A = arith.index_cast %arg0 : i32 to index
    %get3A_0 = arith.constant 0 : index
    %get3A_1 = arith.constant 0 : index
    %get3A_2 = memref.load %arg1[%get3A, %get3A_0, %get3A_1] : memref<2x1x48xi32, #tpu.memory_space<smem>>
    %get3A_3 = arith.index_cast %arg0 : i32 to index
    %get3A_4 = arith.constant 0 : index
    %get3A_5 = arith.constant 1 : index
    %get3A_6 = memref.load %arg1[%get3A_3, %get3A_4, %get3A_5] : memref<2x1x48xi32, #tpu.memory_space<smem>>
    %get3A_7 = arith.index_cast %arg0 : i32 to index
    %get3A_8 = arith.constant 0 : index
    %get3A_9 = arith.constant 2 : index
    %get3A_10 = memref.load %arg1[%get3A_7, %get3A_8, %get3A_9] : memref<2x1x48xi32, #tpu.memory_space<smem>>
    %get3A_11 = arith.index_cast %arg0 : i32 to index
    %get3A_12 = arith.constant 0 : index
    %get3A_13 = arith.constant 3 : index
    %get3A_14 = memref.load %arg1[%get3A_11, %get3A_12, %get3A_13] : memref<2x1x48xi32, #tpu.memory_space<smem>>
    %get3A_15 = arith.index_cast %arg0 : i32 to index
    %get3A_16 = arith.constant 0 : index
    %get3A_17 = arith.constant 4 : index
    %get3A_18 = memref.load %arg1[%get3A_15, %get3A_16, %get3A_17] : memref<2x1x48xi32, #tpu.memory_space<smem>>
    %get3A_19 = arith.index_cast %arg0 : i32 to index
    %get3A_20 = arith.constant 0 : index
    %get3A_21 = arith.constant 5 : index
    %get3A_22 = memref.load %arg1[%get3A_19, %get3A_20, %get3A_21] : memref<2x1x48xi32, #tpu.memory_space<smem>>
    %get3A_23 = arith.index_cast %arg0 : i32 to index
    %get3A_24 = arith.constant 0 : index
    %get3A_25 = arith.constant 6 : index
    %get3A_26 = memref.load %arg1[%get3A_23, %get3A_24, %get3A_25] : memref<2x1x48xi32, #tpu.memory_space<smem>>
    %get3A_27 = arith.index_cast %arg0 : i32 to index
    %get3A_28 = arith.constant 0 : index
    %get3A_29 = arith.constant 7 : index
    %get3A_30 = memref.load %arg1[%get3A_27, %get3A_28, %get3A_29] : memref<2x1x48xi32, #tpu.memory_space<smem>>
    %get3A_31 = arith.index_cast %arg0 : i32 to index
    %get3A_32 = arith.constant 0 : index
    %get3A_33 = arith.constant 8 : index
    %get3A_34 = memref.load %arg1[%get3A_31, %get3A_32, %get3A_33] : memref<2x1x48xi32, #tpu.memory_space<smem>>
    %get3A_35 = arith.index_cast %arg0 : i32 to index
    %get3A_36 = arith.constant 0 : index
    %get3A_37 = arith.constant 9 : index
    %get3A_38 = memref.load %arg1[%get3A_35, %get3A_36, %get3A_37] : memref<2x1x48xi32, #tpu.memory_space<smem>>
    %get3A_39 = arith.index_cast %arg0 : i32 to index
    %get3A_40 = arith.constant 0 : index
    %get3A_41 = arith.constant 10 : index
    %get3A_42 = memref.load %arg1[%get3A_39, %get3A_40, %get3A_41] : memref<2x1x48xi32, #tpu.memory_space<smem>>
    %get3A_43 = arith.index_cast %arg0 : i32 to index
    %get3A_44 = arith.constant 0 : index
    %get3A_45 = arith.constant 11 : index
    %get3A_46 = memref.load %arg1[%get3A_43, %get3A_44, %get3A_45] : memref<2x1x48xi32, #tpu.memory_space<smem>>
    %get3A_47 = arith.index_cast %arg0 : i32 to index
    %get3A_48 = arith.constant 0 : index
    %get3A_49 = arith.constant 12 : index
    %get3A_50 = memref.load %arg1[%get3A_47, %get3A_48, %get3A_49] : memref<2x1x48xi32, #tpu.memory_space<smem>>
    %get3A_51 = arith.index_cast %arg0 : i32 to index
    %get3A_52 = arith.constant 0 : index
    %get3A_53 = arith.constant 13 : index
    %get3A_54 = memref.load %arg1[%get3A_51, %get3A_52, %get3A_53] : memref<2x1x48xi32, #tpu.memory_space<smem>>
    %get3A_55 = arith.index_cast %arg0 : i32 to index
    %get3A_56 = arith.constant 0 : index
    %get3A_57 = arith.constant 14 : index
    %get3A_58 = memref.load %arg1[%get3A_55, %get3A_56, %get3A_57] : memref<2x1x48xi32, #tpu.memory_space<smem>>
    %get3A_59 = arith.index_cast %arg0 : i32 to index
    %get3A_60 = arith.constant 0 : index
    %get3A_61 = arith.constant 15 : index
    %get3A_62 = memref.load %arg1[%get3A_59, %get3A_60, %get3A_61] : memref<2x1x48xi32, #tpu.memory_space<smem>>
    %get3A_63 = arith.index_cast %arg0 : i32 to index
    %get3A_64 = arith.constant 0 : index
    %get3A_65 = arith.constant 16 : index
    %get3A_66 = memref.load %arg1[%get3A_63, %get3A_64, %get3A_65] : memref<2x1x48xi32, #tpu.memory_space<smem>>
    %get3A_67 = arith.index_cast %arg0 : i32 to index
    %get3A_68 = arith.constant 0 : index
    %get3A_69 = arith.constant 17 : index
    %get3A_70 = memref.load %arg1[%get3A_67, %get3A_68, %get3A_69] : memref<2x1x48xi32, #tpu.memory_space<smem>>
    %get3A_71 = arith.index_cast %arg0 : i32 to index
    %get3A_72 = arith.constant 0 : index
    %get3A_73 = arith.constant 18 : index
    %get3A_74 = memref.load %arg1[%get3A_71, %get3A_72, %get3A_73] : memref<2x1x48xi32, #tpu.memory_space<smem>>
    %get3A_75 = arith.index_cast %arg0 : i32 to index
    %get3A_76 = arith.constant 0 : index
    %get3A_77 = arith.constant 19 : index
    %get3A_78 = memref.load %arg1[%get3A_75, %get3A_76, %get3A_77] : memref<2x1x48xi32, #tpu.memory_space<smem>>
    %get3A_79 = arith.index_cast %arg0 : i32 to index
    %get3A_80 = arith.constant 0 : index
    %get3A_81 = arith.constant 20 : index
    %get3A_82 = memref.load %arg1[%get3A_79, %get3A_80, %get3A_81] : memref<2x1x48xi32, #tpu.memory_space<smem>>
    %get3A_83 = arith.index_cast %arg0 : i32 to index
    %get3A_84 = arith.constant 0 : index
    %get3A_85 = arith.constant 21 : index
    %get3A_86 = memref.load %arg1[%get3A_83, %get3A_84, %get3A_85] : memref<2x1x48xi32, #tpu.memory_space<smem>>
    %get3A_87 = arith.index_cast %arg0 : i32 to index
    %get3A_88 = arith.constant 0 : index
    %get3A_89 = arith.constant 22 : index
    %get3A_90 = memref.load %arg1[%get3A_87, %get3A_88, %get3A_89] : memref<2x1x48xi32, #tpu.memory_space<smem>>
    %get3A_91 = arith.index_cast %arg0 : i32 to index
    %get3A_92 = arith.constant 0 : index
    %get3A_93 = arith.constant 23 : index
    %get3A_94 = memref.load %arg1[%get3A_91, %get3A_92, %get3A_93] : memref<2x1x48xi32, #tpu.memory_space<smem>>
    %get3A_95 = arith.index_cast %arg0 : i32 to index
    %get3A_96 = arith.constant 0 : index
    %get3A_97 = arith.constant 24 : index
    %get3A_98 = memref.load %arg1[%get3A_95, %get3A_96, %get3A_97] : memref<2x1x48xi32, #tpu.memory_space<smem>>
    %get3A_99 = arith.index_cast %arg0 : i32 to index
    %get3A_100 = arith.constant 0 : index
    %get3A_101 = arith.constant 25 : index
    %get3A_102 = memref.load %arg1[%get3A_99, %get3A_100, %get3A_101] : memref<2x1x48xi32, #tpu.memory_space<smem>>
    %get3A_103 = arith.index_cast %arg0 : i32 to index
    %get3A_104 = arith.constant 0 : index
    %get3A_105 = arith.constant 26 : index
    %get3A_106 = memref.load %arg1[%get3A_103, %get3A_104, %get3A_105] : memref<2x1x48xi32, #tpu.memory_space<smem>>
    %get3A_107 = arith.index_cast %arg0 : i32 to index
    %get3A_108 = arith.constant 0 : index
    %get3A_109 = arith.constant 27 : index
    %get3A_110 = memref.load %arg1[%get3A_107, %get3A_108, %get3A_109] : memref<2x1x48xi32, #tpu.memory_space<smem>>
    %get3A_111 = arith.index_cast %arg0 : i32 to index
    %get3A_112 = arith.constant 0 : index
    %get3A_113 = arith.constant 28 : index
    %get3A_114 = memref.load %arg1[%get3A_111, %get3A_112, %get3A_113] : memref<2x1x48xi32, #tpu.memory_space<smem>>
    %get3A_115 = arith.index_cast %arg0 : i32 to index
    %get3A_116 = arith.constant 0 : index
    %get3A_117 = arith.constant 29 : index
    %get3A_118 = memref.load %arg1[%get3A_115, %get3A_116, %get3A_117] : memref<2x1x48xi32, #tpu.memory_space<smem>>
    %get3A_119 = arith.index_cast %arg0 : i32 to index
    %get3A_120 = arith.constant 0 : index
    %get3A_121 = arith.constant 30 : index
    %get3A_122 = memref.load %arg1[%get3A_119, %get3A_120, %get3A_121] : memref<2x1x48xi32, #tpu.memory_space<smem>>
    %get3A_123 = arith.index_cast %arg0 : i32 to index
    %get3A_124 = arith.constant 0 : index
    %get3A_125 = arith.constant 31 : index
    %get3A_126 = memref.load %arg1[%get3A_123, %get3A_124, %get3A_125] : memref<2x1x48xi32, #tpu.memory_space<smem>>
    %get3A_127 = arith.index_cast %arg0 : i32 to index
    %get3A_128 = arith.constant 0 : index
    %get3A_129 = arith.constant 32 : index
    %get3A_130 = memref.load %arg1[%get3A_127, %get3A_128, %get3A_129] : memref<2x1x48xi32, #tpu.memory_space<smem>>
    %get3A_131 = arith.index_cast %arg0 : i32 to index
    %get3A_132 = arith.constant 0 : index
    %get3A_133 = arith.constant 33 : index
    %get3A_134 = memref.load %arg1[%get3A_131, %get3A_132, %get3A_133] : memref<2x1x48xi32, #tpu.memory_space<smem>>
    %get3A_135 = arith.index_cast %arg0 : i32 to index
    %get3A_136 = arith.constant 0 : index
    %get3A_137 = arith.constant 34 : index
    %get3A_138 = memref.load %arg1[%get3A_135, %get3A_136, %get3A_137] : memref<2x1x48xi32, #tpu.memory_space<smem>>
    %get3A_139 = arith.index_cast %arg0 : i32 to index
    %get3A_140 = arith.constant 0 : index
    %get3A_141 = arith.constant 35 : index
    %get3A_142 = memref.load %arg1[%get3A_139, %get3A_140, %get3A_141] : memref<2x1x48xi32, #tpu.memory_space<smem>>
    %get3A_143 = arith.index_cast %arg0 : i32 to index
    %get3A_144 = arith.constant 0 : index
    %get3A_145 = arith.constant 36 : index
    %get3A_146 = memref.load %arg1[%get3A_143, %get3A_144, %get3A_145] : memref<2x1x48xi32, #tpu.memory_space<smem>>
    %get3A_147 = arith.index_cast %arg0 : i32 to index
    %get3A_148 = arith.constant 0 : index
    %get3A_149 = arith.constant 37 : index
    %get3A_150 = memref.load %arg1[%get3A_147, %get3A_148, %get3A_149] : memref<2x1x48xi32, #tpu.memory_space<smem>>
    %get3A_151 = arith.index_cast %arg0 : i32 to index
    %get3A_152 = arith.constant 0 : index
    %get3A_153 = arith.constant 38 : index
    %get3A_154 = memref.load %arg1[%get3A_151, %get3A_152, %get3A_153] : memref<2x1x48xi32, #tpu.memory_space<smem>>
    %get3A_155 = arith.index_cast %arg0 : i32 to index
    %get3A_156 = arith.constant 0 : index
    %get3A_157 = arith.constant 39 : index
    %get3A_158 = memref.load %arg1[%get3A_155, %get3A_156, %get3A_157] : memref<2x1x48xi32, #tpu.memory_space<smem>>
    %get3A_159 = arith.index_cast %arg0 : i32 to index
    %get3A_160 = arith.constant 0 : index
    %get3A_161 = arith.constant 40 : index
    %get3A_162 = memref.load %arg1[%get3A_159, %get3A_160, %get3A_161] : memref<2x1x48xi32, #tpu.memory_space<smem>>
    %get3A_163 = arith.index_cast %arg0 : i32 to index
    %get3A_164 = arith.constant 0 : index
    %get3A_165 = arith.constant 41 : index
    %get3A_166 = memref.load %arg1[%get3A_163, %get3A_164, %get3A_165] : memref<2x1x48xi32, #tpu.memory_space<smem>>
    %get3A_167 = arith.index_cast %arg0 : i32 to index
    %get3A_168 = arith.constant 0 : index
    %get3A_169 = arith.constant 42 : index
    %get3A_170 = memref.load %arg1[%get3A_167, %get3A_168, %get3A_169] : memref<2x1x48xi32, #tpu.memory_space<smem>>
    %get3A_171 = arith.index_cast %arg0 : i32 to index
    %get3A_172 = arith.constant 0 : index
    %get3A_173 = arith.constant 43 : index
    %get3A_174 = memref.load %arg1[%get3A_171, %get3A_172, %get3A_173] : memref<2x1x48xi32, #tpu.memory_space<smem>>
    %get3A_175 = arith.index_cast %arg0 : i32 to index
    %get3A_176 = arith.constant 0 : index
    %get3A_177 = arith.constant 44 : index
    %get3A_178 = memref.load %arg1[%get3A_175, %get3A_176, %get3A_177] : memref<2x1x48xi32, #tpu.memory_space<smem>>
    %get3A_179 = arith.index_cast %arg0 : i32 to index
    %get3A_180 = arith.constant 0 : index
    %get3A_181 = arith.constant 45 : index
    %get3A_182 = memref.load %arg1[%get3A_179, %get3A_180, %get3A_181] : memref<2x1x48xi32, #tpu.memory_space<smem>>
    %get3A_183 = arith.index_cast %arg0 : i32 to index
    %get3A_184 = arith.constant 0 : index
    %get3A_185 = arith.constant 46 : index
    %get3A_186 = memref.load %arg1[%get3A_183, %get3A_184, %get3A_185] : memref<2x1x48xi32, #tpu.memory_space<smem>>
    %get3A_187 = arith.index_cast %arg0 : i32 to index
    %get3A_188 = arith.constant 0 : index
    %get3A_189 = arith.constant 47 : index
    %get3A_190 = memref.load %arg1[%get3A_187, %get3A_188, %get3A_189] : memref<2x1x48xi32, #tpu.memory_space<smem>>
    %stack3A = vector.broadcast %get3A_2 : i32 to vector<1xi32>
    %stack3A_191 = vector.broadcast %get3A_6 : i32 to vector<1xi32>
    %stack3A_192 = vector.broadcast %get3A_10 : i32 to vector<1xi32>
    %stack3A_193 = vector.broadcast %get3A_14 : i32 to vector<1xi32>
    %stack3A_194 = vector.broadcast %get3A_18 : i32 to vector<1xi32>
    %stack3A_195 = vector.broadcast %get3A_22 : i32 to vector<1xi32>
    %stack3A_196 = vector.broadcast %get3A_26 : i32 to vector<1xi32>
    %stack3A_197 = vector.broadcast %get3A_30 : i32 to vector<1xi32>
    %stack3A_198 = vector.broadcast %get3A_34 : i32 to vector<1xi32>
    %stack3A_199 = vector.broadcast %get3A_38 : i32 to vector<1xi32>
    %stack3A_200 = vector.broadcast %get3A_42 : i32 to vector<1xi32>
    %stack3A_201 = vector.broadcast %get3A_46 : i32 to vector<1xi32>
    %stack3A_202 = vector.broadcast %get3A_50 : i32 to vector<1xi32>
    %stack3A_203 = vector.broadcast %get3A_54 : i32 to vector<1xi32>
    %stack3A_204 = vector.broadcast %get3A_58 : i32 to vector<1xi32>
    %stack3A_205 = vector.broadcast %get3A_62 : i32 to vector<1xi32>
    %stack3A_206 = vector.broadcast %get3A_66 : i32 to vector<1xi32>
    %stack3A_207 = vector.broadcast %get3A_70 : i32 to vector<1xi32>
    %stack3A_208 = vector.broadcast %get3A_74 : i32 to vector<1xi32>
    %stack3A_209 = vector.broadcast %get3A_78 : i32 to vector<1xi32>
    %stack3A_210 = vector.broadcast %get3A_82 : i32 to vector<1xi32>
    %stack3A_211 = vector.broadcast %get3A_86 : i32 to vector<1xi32>
    %stack3A_212 = vector.broadcast %get3A_90 : i32 to vector<1xi32>
    %stack3A_213 = vector.broadcast %get3A_94 : i32 to vector<1xi32>
    %stack3A_214 = vector.broadcast %get3A_98 : i32 to vector<1xi32>
    %stack3A_215 = vector.broadcast %get3A_102 : i32 to vector<1xi32>
    %stack3A_216 = vector.broadcast %get3A_106 : i32 to vector<1xi32>
    %stack3A_217 = vector.broadcast %get3A_110 : i32 to vector<1xi32>
    %stack3A_218 = vector.broadcast %get3A_114 : i32 to vector<1xi32>
    %stack3A_219 = vector.broadcast %get3A_118 : i32 to vector<1xi32>
    %stack3A_220 = vector.broadcast %get3A_122 : i32 to vector<1xi32>
    %stack3A_221 = vector.broadcast %get3A_126 : i32 to vector<1xi32>
    %stack3A_222 = vector.broadcast %get3A_130 : i32 to vector<1xi32>
    %stack3A_223 = vector.broadcast %get3A_134 : i32 to vector<1xi32>
    %stack3A_224 = vector.broadcast %get3A_138 : i32 to vector<1xi32>
    %stack3A_225 = vector.broadcast %get3A_142 : i32 to vector<1xi32>
    %stack3A_226 = vector.broadcast %get3A_146 : i32 to vector<1xi32>
    %stack3A_227 = vector.broadcast %get3A_150 : i32 to vector<1xi32>
    %stack3A_228 = vector.broadcast %get3A_154 : i32 to vector<1xi32>
    %stack3A_229 = vector.broadcast %get3A_158 : i32 to vector<1xi32>
    %stack3A_230 = vector.broadcast %get3A_162 : i32 to vector<1xi32>
    %stack3A_231 = vector.broadcast %get3A_166 : i32 to vector<1xi32>
    %stack3A_232 = vector.broadcast %get3A_170 : i32 to vector<1xi32>
    %stack3A_233 = vector.broadcast %get3A_174 : i32 to vector<1xi32>
    %stack3A_234 = vector.broadcast %get3A_178 : i32 to vector<1xi32>
    %stack3A_235 = vector.broadcast %get3A_182 : i32 to vector<1xi32>
    %stack3A_236 = vector.broadcast %get3A_186 : i32 to vector<1xi32>
    %stack3A_237 = vector.broadcast %get3A_190 : i32 to vector<1xi32>
    %stack3A_238 = tpu.concatenate %stack3A, %stack3A_191, %stack3A_192, %stack3A_193, %stack3A_194, %stack3A_195, %stack3A_196, %stack3A_197, %stack3A_198, %stack3A_199, %stack3A_200, %stack3A_201, %stack3A_202, %stack3A_203, %stack3A_204, %stack3A_205, %stack3A_206, %stack3A_207, %stack3A_208, %stack3A_209, %stack3A_210, %stack3A_211, %stack3A_212, %stack3A_213, %stack3A_214, %stack3A_215, %stack3A_216, %stack3A_217, %stack3A_218, %stack3A_219, %stack3A_220, %stack3A_221, %stack3A_222, %stack3A_223, %stack3A_224, %stack3A_225, %stack3A_226, %stack3A_227, %stack3A_228, %stack3A_229, %stack3A_230, %stack3A_231, %stack3A_232, %stack3A_233, %stack3A_234, %stack3A_235, %stack3A_236, %stack3A_237 in 0 : vector<1xi32>, vector<1xi32>, vector<1xi32>, vector<1xi32>, vector<1xi32>, vector<1xi32>, vector<1xi32>, vector<1xi32>, vector<1xi32>, vector<1xi32>, vector<1xi32>, vector<1xi32>, vector<1xi32>, vector<1xi32>, vector<1xi32>, vector<1xi32>, vector<1xi32>, vector<1xi32>, vector<1xi32>, vector<1xi32>, vector<1xi32>, vector<1xi32>, vector<1xi32>, vector<1xi32>, vector<1xi32>, vector<1xi32>, vector<1xi32>, vector<1xi32>, vector<1xi32>, vector<1xi32>, vector<1xi32>, vector<1xi32>, vector<1xi32>, vector<1xi32>, vector<1xi32>, vector<1xi32>, vector<1xi32>, vector<1xi32>, vector<1xi32>, vector<1xi32>, vector<1xi32>, vector<1xi32>, vector<1xi32>, vector<1xi32>, vector<1xi32>, vector<1xi32>, vector<1xi32>, vector<1xi32> -> vector<48xi32>
    %broadcast_in_dim3A = vector.shape_cast %stack3A_238 : vector<48xi32> to vector<48x1xi32>
    %eq3A = vector.broadcast %broadcast_in_dim3A : vector<48x1xi32> to vector<48x32768xi32>
    %eq3A_239 = arith.cmpi eq, %iota3A, %eq3A : vector<48x32768xi32>
    %convert_element_type3A = arith.extui %eq3A_239 : vector<48x32768xi1> to vector<48x32768xi32>
    %convert_element_type3A_240 = arith.sitofp %convert_element_type3A : vector<48x32768xi32> to vector<48x32768xf32>
    %swap3A = arith.constant 0 : index
    %swap3A_241 = arith.constant 0 : index
    %swap3A_242 = vector.load %arg3[%swap3A, %swap3A_241] : memref<48x32768xf32, #tpu.memory_space<vmem>>, vector<48x32768xf32>
    tpu.vector_store %arg3[%swap3A, %swap3A_241], %convert_element_type3A_240 {strides = array<i32>} : memref<48x32768xf32, #tpu.memory_space<vmem>>, vector<48x32768xf32>,
    return
  }
  func.func @transform_0(%arg0: i32) -> (i32, i32, i32) {
    %c0_i32 = arith.constant 0 : i32
    %c0_i32_0 = arith.constant 0 : i32
    %c0_i32_1 = arith.constant 0 : i32
    %c0_i32_2 = arith.constant 0 : i32
    return %c0_i32, %c0_i32_0, %c0_i32_1 : i32, i32, i32
  }
  func.func @transform_2(%arg0: i32) -> (i32, i32) {
    %c0_i32 = arith.constant 0 : i32
    %c0_i32_0 = arith.constant 0 : i32
    return %arg0, %c0_i32 : i32, i32
  }
}

</mosaic_0001>

<sc_bundles>
// kernel: kernel.5.cloned.1.call-start
scs
__scs_entry_jumppad:
0x0: {  	(pc) =	sbr.rel $0x88, $3  }
0x1: {  	(tag) =	ssettag $0x0;
	lr =	simm.s32 $0x1  }
0x2: {  	[smem:$0x3FA0] =	sst lr;
	_ =	strace $0xD0000000  }
0x3: {  	_ = 	snop  }
0x4: {  	_ = 	snop  }
0x5: {  	_ = 	snop  }
0x6: {  	_ = 	snop  }
0x7: {  	_ = 	snop  }
__scs_overlays_trampoline_lowered:
0x8: {  	[smem:$0x3FAF] =	sst s0  }
0x9: {  	[smem:$0x3FB0] =	sst s1  }
0xa: {  	[smem:$0x3FB1] =	sst s2  }
0xb: {  	[smem:$0x3FB2] =	sst s3  }
0xc: {  	[smem:$0x3FB3] =	sst s4  }
0xd: {  	[smem:$0x3FB4] =	sst s5  }
0xe: {  	[smem:$0x3FB5] =	sst s6  }
0xf: {  	[smem:$0x3FB6] =	sst s7  }
0x10: {  	[smem:$0x3FB7] =	sst s8  }
0x11: {  	[smem:$0x3FB8] =	sst s9;
	s0 =	simm.s32 @!p0 $0x0  }
0x12: {  	s1 =	sld [smem:$0x3F9E];
	s0 =	simm.s32 @p0 $0x1  }
0x13: {  	[smem:$0x3FB9] =	sst s0;
	s0 =	simm.s32 @!p1 $0x0  }
0x14: {  	s2 =	sld [smem:$0x3F9D];
	s0 =	simm.s32 @p1 $0x1  }
0x15: {  	[smem:$0x3FBA] =	sst s0;
	s0 =	simm.s32 @!p2 $0x0  }
0x16: {  	s3 =	sld [smem:$0x3FDB];
	s0 =	simm.s32 @p2 $0x1  }
0x17: {  	s4 =	simm.s32 $0x1BF5;
	[smem:$0x3FBC] =	sst s0  }
0x18: {  	s0 =	sld [smem:$0x3F9F];
	_ =	swait.ge [sflag:s4], $0x0  }
0x19: {  	s7 =	sld [smem:$0x3FA0]  }
0x1a: {  	s8 =	sadd.s32 $0xFFFFE003, lr  }
0x1b: {  	s9 =	sadd.s32 $0xFFFFFEF7, lr;
	s5 =	simm.s32 $0xFFFFFFFF;
	p2 =	slt.u32 s8, $0xFFFFF086  }
0x1c: {  	p1 =	slt.u32 s9, $0xF7A;
	s5 =	simm.s32 @!p2 $0x0  }
0x1d: {  	s5 =	simm.s32 @p1 $0x1;
	p0 =	seq.s32 s7, s2  }
0x1e: {  	s7 =	smul.u32 @!p0 $0xF7A, s2;
	p2 =	seq.s32 @!p0 s5, $0x0  }
0x1f: {  	s9 =	smul.u32 $0xF7A, s1;
	s8 =	simm.s32 @!p0 $0x1BF5;
	p2 =	por !p2, p0  }
0x20: {  	[sflag:s8] =	ssyncset.s32 @!p0 $0xFFFFF086;
	s6 =	sadd.s32 @!p0 s3, s7;
	s7 =	simm.s32 @!p0 $0x108  }
0x21: {  	s3 =	sadd.s32 s3, s9;
	s6 =	sadd.s32 @!p0 $0x88, s6;
	s7 =	simm.s32 @p2 $0x1082  }
0x22: {  	[simem:s7], [sflag:s8] =	dma.local @!p0 [hbm:s6], $0xF7A  }
0x23: {  	s9 =	sor.u32 $0xD0000000, s2;
	s6 =	simm.s32 $0x108;
	_ =	swait.ge @!p0 [sflag:s8], $0x0  }
0x24: {  	s3 =	sadd.s32 $0x88, s3;
	s6 =	simm.s32 @!p1 $0x1082;
	[sflag:s4] =	ssyncset.s32 $0xFFFFF086  }
0x25: {  	[simem:s6], [sflag:s4] =	dma.local [hbm:s3], $0xF7A  }
0x26: {  	[smem:$0x3FA0] =	sst s1;
	(tag) =	ssettag s2;
	_ =	strace s9  }
0x27: {  	s1 =	sld [smem:$0x3FB0]  }
0x28: {  	s2 =	sld [smem:$0x3FB1]  }
0x29: {  	s4 =	sld [smem:$0x3FB3]  }
0x2a: {  	p0 =	seq.s32 s5, $0x0;
	s5 =	sld [smem:$0x3FB4]  }
0x2b: {  	s6 =	sld [smem:$0x3FB5]  }
0x2c: {  	s7 =	sld [smem:$0x3FB6]  }
0x2d: {  	s3 =	simm.s32 $0x108;
	s8 =	sld [smem:$0x3FB7]  }
0x2e: {  	s3 =	simm.s32 @!p0 $0x1082;
	s9 =	sld [smem:$0x3FB8]  }
0x2f: {  	lr =	sadd.s32 s0, s3;
	s0 =	sld [smem:$0x3FAF]  }
0x30: {  	s3 =	sld [smem:$0x3FB2]  }
0x31: {  	[smem:$0x3FBB] =	sst s10  }
0x32: {  	s10 =	sld [smem:$0x3FB9];
	_ =	sdelay $0x3  }
0x33: {  	p0 =	seq.s32 s10, $0x1;
	s10 =	sld [smem:$0x3FBB];
	_ =	sdelay $0x3  }
0x34: {  	[smem:$0x3FBB] =	sst s10  }
0x35: {  	s10 =	sld [smem:$0x3FBA];
	_ =	sdelay $0x3  }
0x36: {  	p1 =	seq.s32 s10, $0x1;
	s10 =	sld [smem:$0x3FBB];
	_ =	sdelay $0x3  }
0x37: {  	[smem:$0x3FBB] =	sst s10  }
0x38: {  	s10 =	sld [smem:$0x3FBC]  }
0x39: {  	_ = 	snop;
	(pc) =	sbr.ind lr, $3  }
0x3a: {  	_ = 	snop  }
0x3b: {  	_ = 	snop  }
0x3c: {  	p2 =	seq.s32 s10, $0x1;
	s10 =	sld [smem:$0x3FBB]  }
0x3d: {  	_ =	shalt  }
0x3e: {  	_ =	shalt  }
0x3f: {  	_ =	shalt  }
0x40: {  	_ =	shalt  }
0x41: {  	_ =	shalt  }
0x42: {  	_ =	shalt  }
0x43: {  	_ =	shalt  }
0x44: {  	_ =	shalt  }
0x45: {  	_ =	shalt  }
0x46: {  	_ =	shalt  }
0x47: {  	_ =	shalt  }
0x48: {  	_ =	shalt  }
0x49: {  	_ =	shalt  }
0x4a: {  	_ =	shalt  }
0x4b: {  	_ =	shalt  }
0x4c: {  	_ =	shalt  }
0x4d: {  	_ =	shalt  }
0x4e: {  	_ =	shalt  }
0x4f: {  	_ =	shalt  }
0x50: {  	_ =	shalt  }
0x51: {  	_ =	shalt  }
0x52: {  	_ =	shalt  }
0x53: {  	_ =	shalt  }
0x54: {  	_ =	shalt  }
0x55: {  	_ =	shalt  }
0x56: {  	_ =	shalt  }
0x57: {  	_ =	shalt  }
0x58: {  	_ =	shalt  }
0x59: {  	_ =	shalt  }
0x5a: {  	_ =	shalt  }
0x5b: {  	_ =	shalt  }
0x5c: {  	_ =	shalt  }
0x5d: {  	_ =	shalt  }
0x5e: {  	_ =	shalt  }
0x5f: {  	_ =	shalt  }
0x60: {  	_ =	shalt  }
0x61: {  	_ =	shalt  }
0x62: {  	_ =	shalt  }
0x63: {  	_ =	shalt  }
0x64: {  	_ =	shalt  }
0x65: {  	_ =	shalt  }
0x66: {  	_ =	shalt  }
0x67: {  	_ =	shalt  }
0x68: {  	_ =	shalt  }
0x69: {  	_ =	shalt  }
0x6a: {  	_ =	shalt  }
0x6b: {  	_ =	shalt  }
0x6c: {  	_ =	shalt  }
0x6d: {  	_ =	shalt  }
0x6e: {  	_ =	shalt  }
0x6f: {  	_ =	shalt  }
0x70: {  	_ =	shalt  }
0x71: {  	_ =	shalt  }
0x72: {  	_ =	shalt  }
0x73: {  	_ =	shalt  }
0x74: {  	_ =	shalt  }
0x75: {  	_ =	shalt  }
0x76: {  	_ =	shalt  }
0x77: {  	_ =	shalt  }
0x78: {  	_ =	shalt  }
0x79: {  	_ =	shalt  }
0x7a: {  	_ =	shalt  }
0x7b: {  	_ =	shalt  }
0x7c: {  	_ =	shalt  }
0x7d: {  	_ =	shalt  }
0x7e: {  	_ =	shalt  }
0x7f: {  	_ =	shalt  }
0x80: {  	_ =	shalt  }
0x81: {  	_ =	shalt  }
0x82: {  	_ =	shalt  }
0x83: {  	_ =	shalt  }
0x84: {  	_ =	shalt  }
0x85: {  	_ =	shalt  }
0x86: {  	_ =	shalt  }
0x87: {  	_ =	shalt  }
.Lfunc_end0:
.L_simem_size_0:
called_computation_lowered:
.L_overlay_start_0:
0x88: {  	s2 =	sld [smem:$0x3FD9]  }
0x89: {  	s3 =	sld [smem:$0x3FFE];
	_ =	sdelay $0x1  }
0x8a: {  	s1 =	srdreg.scid  }
0x8b: {  	s0 =	sand.u32 $0x1, s1  }
0x8c: {  	s18 =	sshll.u32 s0, $0xA;
	s2 =	sadd.s32 s3, s2  }
0x8d: {  	s2 =	sadd.s32 s2, s18  }
0x8e: {  	[smem:$0x3FC7] =	sst s2  }
0x8f: {  	_ = 	snop  }
0x90: {  	s2 =	sld [smem:$0x3FC9]  }
0x91: {  	s19 =	sld [smem:$0x3FD0];
	(tm) =	ssettm $0x1  }
0x92: {  	s4 =	sld [smem:$0x3FFB];
	_ =	sdelay $0x3  }
0x93: {  	_ =	strace s4  }
0x94: {  	s4 =	sld [smem:$0x3FFC];
	_ =	sdelay $0x3  }
0x95: {  	_ =	strace s4  }
0x96: {  	s4 =	sld [smem:$0x3FFD];
	_ =	sdelay $0x3  }
0x97: {  	_ =	strace s4  }
0x98: {  	_ =	strace $0x8FFFFFFF  }
0x99: {  	s20 =	sld [smem:$0x3FDB];
	_ =	sdelay $0x1  }
0x9a: {  	s5 =	simm.s32 $_scs_section_size  }
0x9b: {  	s6 =	simm.s32 $_size__tile_overlayer_lowered;
	s7 =	simm.s32 $_tile_overlayer_lowered  }
0x9c: {  	s23 =	simm.s32 $0x1BFF;
	s22 =	sshll.u32 s7, $0x1;
	s4 =	sadd.s32 s5, s20  }
0x9d: {  	s8 =	simm.s32 $0x0;
	s21 =	sshll.u32 s6, $0x1;
	s6 =	sadd.s32 s22, s4  }
0x9e: {  	[timem:s8], [sflag:s23] =	dma.local [hbm:s6], s21  }
0x9f: {  	_ =	swait.ge [sflag:s23], s21  }
0xa0: {  	s5 =	ssub.s32 $0x0, s21;
	[sflag:s23] =	ssyncset.done $0x0  }
0xa1: {  	[sflag:s23] =	ssyncadd.s32 s5;
	_ =	sdelay $0x1  }
0xa2: {  	s24 =	simm.s32 $0x1B8B  }
0xa3: {  	_ =	swait.ge [sflag:s24], $0x1  }
0xa4: {  	[sflag:s24] =	ssyncset.done $0x0  }
0xa5: {  	s25 =	simm.s32 $0x1B8E;
	[sflag:s24] =	ssyncadd.s32 $0xFFFFFFFF  }
0xa6: {  	s26 =	simm.s32 $execute0_lowered;
	[smem:$0x3FD2] =	sst s25  }
0xa7: {  	s5 =	sshll.u32 s26, $0x1;
	_ =	strace $0x80000046;
	[dreg:$0x1] =	wrdreg $0xFFFFFFFF  }
0xa8: {  	s28 =	simm.s32 $_size_execute0_lowered;
	s4 =	sadd.s32 s4, s5;
	[dreg:$0x0] =	wrdreg $0x0  }
0xa9: {  	s5 =	sshll.u32 s28, $0x1;
	[dreg:$0x2] =	wrdreg s4  }
0xaa: {  	[dreg:$0x3] =	wrdreg s5  }
0xab: {  	[dreg:$0x4] =	wrdreg $0xC0  }
0xac: {  	_ =	task [dreg:s8], $0x5FFFF  }
0xad: {  	[dreg:$0x1] =	wrdreg $0xFFFFFFFF  }
0xae: {  	[dreg:$0x0] =	wrdreg $0x60  }
0xaf: {  	[dreg:$0x2] =	wrdreg s2  }
0xb0: {  	[dreg:$0x3] =	wrdreg s19  }
0xb1: {  	[dreg:$0x4] =	wrdreg $0x9  }
0xb2: {  	_ =	task.clear_ibuf [dreg:s8], $0x5FFFF;
	_ =	strace $0x90000046  }
0xb3: {  	s29 =	simm.s32 $0x9;
	_ =	strace $0x80000048  }
0xb4: {  	_ =	swait.ge [sflag:s29], $0x1  }
0xb5: {  	[sflag:s29] =	ssyncadd.s32 $0xFFFFFFFF  }
0xb6: {  	_ =	strace $0x90000048  }
0xb7: {  	_ =	sfence  }
0xb8: {  	s30 =	sld [smem:$0x0];
	_ =	sdelay $0x2  }
0xb9: {  	s31 =	sshll.u32 s1, $0xD;
	s1 =	sshrl.u32 s1, $0x2  }
0xba: {  	s3 =	sand.u32 $0x4000, s31;
	s1 =	sadd.s32 s1, s30  }
0xbb: {  	s0 =	sor.u32 s3, s0;
	s1 =	sshll.u32 s1, $0x11  }
0xbc: {  	s0 =	sor.u32 s1, s0  }
0xbd: {  	s0 =	sadd.s32 $0x8F2B, s0  }
0xbe: {  	[sflag:s0] =	ssyncadd.remote.s32 $0x1  }
0xbf: {  	_ =	sfence.sel $0xFFFF  }
0xc0: {  	[dreg:$0x0] =	wrdreg $0xFFFFFFFF;
	(pc) =	sbr.abs _section_cstart, $3  }
0xc1: {  	[dreg:$0x1] =	wrdreg $0xFFFFFFFF  }
0xc2: {  	_ =	task.clear_ibuf [dreg:s8], $0x2FFFF;
	_ =	strace $0x9FFFFFFF  }
0xc3: {  	(tm) =	ssettm $0x7FFFFFFF  }
tec
execute0_lowered:
.L_overlay_start_1:
0x0: {  	(tag) =	ssettag $0x1  }
0x1: {  	s0 =	rddreg [dreg:$0x0]  }
0x2: {  	s11 =	rddreg [dreg:$0x1];
	s12 =	simm.s32 $0x0;
	s1 =	srdreg.scid  }
0x3: {  	s3 =	stileid.u32;
	s28 =	simm.s32 $0x3;
	s29 =	simm.s32 $0x4  }
0x4: {  	s30 =	simm.s32 $0x5;
	s31 =	simm.s32 $0x6;
	[smem:$0x7FF] =	sst s12  }
0x5: {  	s1 =	sand.u32 $0x1, s1;
	s2 =	sshll.u32 s3, $0x10;
	s3 =	sshll.u32 s3, $0x8  }
0x6: {  	_ =	strace $0x80000047;
	s6 =	sand.u32 $0xC0000, s2;
	s5 =	sshll.u32 s1, $0x7  }
0x7: {  	s3 =	sand.u32 $0x300, s3;
	s1 =	ssub.s32 $0x2, s1;
	s4 =	sor.u32 $0x300000, s6  }
0x8: {  	s5 =	sor.u32 s5, s3;
	s18 =	sshrl.u32 s1, $0x1;
	s3 =	simm.s32 $0x9  }
0x9: {  	s7 =	sor.u32 s5, s4;
	s6 =	sor.u32 s6, s5;
	s1 =	ssub.s32 s1, s18  }
0xa: {  	s2 =	sor.u32 s2, s5;
	s19 =	sshrl.u32 s7, $0x3;
	s6 =	sshrl.u32 s6, $0x3  }
0xb: {  	v0 =	vimm.s32 $0xFEDCBA98;
	s2 =	sshrl.u32 s2, $0x3;
	s7 =	sadd.s32 s0, s19;
	s21 =	sor.u32 $0x61000, s6  }
0xc: {  	v1 =	vimm.s32 $0x76543210;
	s8 =	sor.u32 $0x62000, s6;
	s23 =	sor.u32 $0x63000, s6;
	s24 =	sor.u32 $0x64000, s6  }
0xd: {  	v3 =	vimm.s32 $0x32107654;
	s6 =	sor.u32 $0x65000, s6;
	s20 =	sor.u32 $0x66000, s2;
	s2 =	sor.u32 $0x67000, s2  }
0xe: {  	v4 =	vimm.s32 $0xDCFE98BA;
	v5 =	vimm.s32 $0x54761032;
	v6 =	vimm.s32 $0xEFCDAB89;
	s14 =	sadd.s32 s11, s19;
	[dreg:$0x3] =	wrdreg s7;
	s9 =	sadd.s32 s0, s21  }
0xf: {  	v7 =	vimm.s32 $0x67452301;
	v0 =	vunpack.c.l.s4.s8 v0;
	v3 =	vunpack.c.l.s4.s8 v3;
	s22 =	sadd.s32 s0, s8;
	s10 =	sadd.s32 s0, s23;
	s13 =	sadd.s32 s0, s24  }
0x10: {  	v4 =	vunpack.c.l.s4.s8 v4;
	v5 =	vunpack.c.l.s4.s8 v5;
	v6 =	vunpack.c.l.s4.s8 v6;
	s25 =	sadd.s32 s0, s6;
	s26 =	sadd.s32 s0, s20;
	s0 =	sadd.s32 s0, s2  }
0x11: {  	v7 =	vunpack.c.l.s4.s8 v7;
	v2 =	vunpack.c.0.s8.s32 v0;
	v0 =	vimm.s32 $0xBA98FEDC;
	s15 =	sadd.s32 s11, s21;
	s16 =	sadd.s32 s11, s8;
	[dreg:$0x4] =	wrdreg s9  }
0x12: {  	v4 =	vunpack.c.0.s8.s32 v4;
	v5 =	vunpack.c.0.s8.s32 v5;
	v0 =	vunpack.c.l.s4.s8 v0;
	s17 =	sadd.s32 s11, s23;
	s18 =	sadd.s32 s11, s24;
	[dreg:$0x5] =	wrdreg s22  }
0x13: {  	v1 =	vunpack.c.l.s4.s8 v1;
	v6 =	vunpack.c.0.s8.s32 v6;
	v7 =	vunpack.c.0.s8.s32 v7;
	s19 =	sadd.s32 s11, s6;
	s20 =	sadd.s32 s11, s20;
	[dreg:$0x6] =	wrdreg s10  }
0x14: {  	v3 =	vunpack.c.0.s8.s32 v3;
	v5 =	vcombine.low v5, v4;
	v0 =	vunpack.c.0.s8.s32 v0;
	s21 =	sadd.s32 s11, s2;
	s23 =	simm.s32 $0x80;
	[dreg:$0x7] =	wrdreg s13  }
0x15: {  	v9 =	vand.u32 $0xF, v2;
	v6 =	vcombine.low v7, v6;
	s24 =	simm.s32 $0x400;
	s2 =	simm.s32 $0x8000;
	[dreg:$0x8] =	wrdreg s25  }
0x16: {  	v5 =	vand.u32 $0xF, v5;
	s6 =	simm.s32 $0xA;
	s7 =	simm.s32 $0x0;
	[dreg:$0x9] =	wrdreg s26;
	v8 =	vcombine.low v3, v0;
	v3 =	vunpack.c.0.s8.s32 v1  }
0x17: {  	v6 =	vand.u32 $0xF, v6;
	[dreg:$0xa] =	wrdreg s0;
	s22 =	smax.u32 s1, $0x1;
	v0 =	vlaneseq.u32;
	s25 =	simm.s32 $0x1;
	v1 =	vimm.f32 $0.0e+00  }
0x18: {  	s26 =	simm.s32 $0x2;
	s0 =	simm.s32 $0x7;
	s1 =	simm.s32 $0x8;
	v2 =	vor.u32 $0x10, v0;
	v3 =	vcombine.low v9, v3;
	v4 =	vand.u32 $0xF, v8  }
.LBB2_1:
0x19: {  	s8 =	rddreg [dreg:$0x3]  }
0x1a: {  	[tilespmem:s12], [sflag:$0x1] =	stream.strided.gather [hbm4b:s8+s23], $0x1000, s24, s23, $0x38;
	[tilespmem:$0x9080] =	vst v63  }
0x1b: {  	s13 =	rddreg [dreg:$0x4];
	s9 =	simm.s32 $0x1000  }
0x1c: {  	[tilespmem:s9], [sflag:$0x2] =	stream.strided.gather [hbm4b:s13+s23], $0x1000, s24, s23, $0x38;
	[tilespmem:$0x9080] =	vst v63  }
0x1d: {  	s10 =	rddreg [dreg:$0x5];
	s11 =	simm.s32 $0x2000  }
0x1e: {  	[tilespmem:s11], [sflag:$0x3] =	stream.strided.gather [hbm4b:s10+s23], $0x1000, s24, s23, $0x38;
	[tilespmem:$0x9080] =	vst v63  }
0x1f: {  	s12 =	rddreg [dreg:$0x6];
	s13 =	simm.s32 $0x3000  }
0x20: {  	[tilespmem:s13], [sflag:$0x4] =	stream.strided.gather [hbm4b:s12+s23], $0x1000, s24, s23, $0x38;
	[tilespmem:$0x9080] =	vst v63  }
0x21: {  	s10 =	rddreg [dreg:$0x7];
	s11 =	simm.s32 $0x4000  }
0x22: {  	[tilespmem:s11], [sflag:$0x5] =	stream.strided.gather [hbm4b:s10+s23], $0x1000, s24, s23, $0x38;
	[tilespmem:$0x9080] =	vst v63  }
0x23: {  	s12 =	rddreg [dreg:$0x8];
	s13 =	simm.s32 $0x5000  }
0x24: {  	[tilespmem:s13], [sflag:$0x6] =	stream.strided.gather [hbm4b:s12+s23], $0x1000, s24, s23, $0x38;
	[tilespmem:$0x9080] =	vst v63  }
0x25: {  	s10 =	rddreg [dreg:$0x9];
	s11 =	simm.s32 $0x6000  }
0x26: {  	[tilespmem:s11], [sflag:$0x7] =	stream.strided.gather [hbm4b:s10+s23], $0x1000, s24, s23, $0x38;
	[tilespmem:$0x9080] =	vst v63  }
0x27: {  	s8 =	simm.s32 $0x8040;
	s12 =	rddreg [dreg:$0xa];
	s13 =	simm.s32 $0x7000  }
0x28: {  	[tilespmem:s13], [sflag:$0x8] =	stream.strided.gather [hbm4b:s12+s23], $0x1000, s24, s23, $0x38;
	[tilespmem:$0x9080] =	vst v63  }
0x29: {  	[tilespmem:s8+$0xFFFFFFC0] =	vst v1  }
0x2a: {  	[tilespmem:s8+$0x30] =	vst v1  }
0x2b: {  	[tilespmem:s8+$0x20] =	vst v1  }
0x2c: {  	[tilespmem:s8+$0x10] =	vst v1  }
0x2d: {  	[tilespmem:s8+$0x0] =	vst v1  }
0x2e: {  	[tilespmem:s8+$0xFFFFFFF0] =	vst v1  }
0x2f: {  	s9 =	simm.s32 $0x0;
	[tilespmem:s8+$0xFFFFFFE0] =	vst v1  }
.LBB2_2:
0x30: {  	s9 =	sadd.s32 $0x8, s9;
	[tilespmem:s8+$0xFFFFFFD0] =	vst v1;
	s8 =	sadd.s32 $0x80, s8  }
0x31: {  	[tilespmem:s8+$0xFFFFFFC0] =	vst v1;
	p0 =	slt.u32 s9, $0xF8  }
0x32: {  	[tilespmem:s8+$0x30] =	vst v1  }
.Ltmp0:
0x33: {  	[tilespmem:s8+$0x20] =	vst v1;
	(pc) =	sbr.rel @p0 .LBB2_2-.Ltmp0, $4  }
0x34: {  	[tilespmem:s8+$0x10] =	vst v1  }
0x35: {  	[tilespmem:s8+$0x0] =	vst v1  }
0x36: {  	[tilespmem:s8+$0xFFFFFFF0] =	vst v1  }
0x37: {  	[tilespmem:s8+$0xFFFFFFE0] =	vst v1  }
0x38: {  	[tilespmem:s8+$0xFFFFFFD0] =	vst v1  }
0x39: {  	[hbm4b:s14+s23] =	stream.strided.scatter [tilespmem:s2], [sflag:$0x9], $0x1000, s24, s23, $0x38;
	[tilespmem:$0x9080] =	vst v63  }
0x3a: {  	_ = 	snop  }
0x3b: {  	[hbm4b:s15+s23] =	stream.strided.scatter [tilespmem:s2], [sflag:$0x9], $0x1000, s24, s23, $0x38;
	[tilespmem:$0x9080] =	vst v63  }
0x3c: {  	_ = 	snop  }
0x3d: {  	[hbm4b:s16+s23] =	stream.strided.scatter [tilespmem:s2], [sflag:$0x9], $0x1000, s24, s23, $0x38;
	[tilespmem:$0x9080] =	vst v63  }
0x3e: {  	_ = 	snop  }
0x3f: {  	[hbm4b:s17+s23] =	stream.strided.scatter [tilespmem:s2], [sflag:$0x9], $0x1000, s24, s23, $0x38;
	[tilespmem:$0x9080] =	vst v63  }
0x40: {  	_ = 	snop  }
0x41: {  	[hbm4b:s18+s23] =	stream.strided.scatter [tilespmem:s2], [sflag:$0x9], $0x1000, s24, s23, $0x38;
	[tilespmem:$0x9080] =	vst v63  }
0x42: {  	_ = 	snop  }
0x43: {  	[hbm4b:s19+s23] =	stream.strided.scatter [tilespmem:s2], [sflag:$0x9], $0x1000, s24, s23, $0x38;
	[tilespmem:$0x9080] =	vst v63  }
0x44: {  	_ = 	snop  }
0x45: {  	[hbm4b:s20+s23] =	stream.strided.scatter [tilespmem:s2], [sflag:$0x9], $0x1000, s24, s23, $0x38;
	[tilespmem:$0x9080] =	vst v63  }
0x46: {  	_ = 	snop  }
0x47: {  	[hbm4b:s21+s23] =	stream.strided.scatter [tilespmem:s2], [sflag:$0x9], $0x1000, s24, s23, $0x38;
	[tilespmem:$0x9080] =	vst v63  }
0x48: {  	_ =	swait.ge [sflag:s25], $0x1000  }
0x49: {  	[sflag:s25] =	ssyncset.done $0x0  }
0x4a: {  	s10 =	simm.s32 $0x40;
	[sflag:s25] =	ssyncadd.s32 $0xFFFFF000  }
0x4b: {  	v14 =	vld [tilespmem:s10+$0xFFFFFFD0]  }
0x4c: {  	v12 =	vld [tilespmem:s10+$0xFFFFFFC0]  }
0x4d: {  	v19 =	vld [tilespmem:s10+$0xFFFFFFF0]  }
0x4e: {  	v15 =	vlaneseq.u32;
	s8 =	simm.s32 $0x60  }
0x4f: {  	v18 =	vimm.f32 $-Inf;
	s9 =	simm.s32 $0x40;
	v17 =	vor.u32 $0x10, v15;
	v7 =	vor.u32 s8, v0;
	v16 =	vld [tilespmem:s10+$0xFFFFFFE0]  }
0x50: {  	s11 =	simm.s32 $0x0;
	v9 =	vor.u32 s9, v0;
	v10 =	vor.u32 s9, v2;
	v11 =	vld [tilespmem:s10+$0x0];
	vm1 =	vgt.f32 v14, v18  }
0x51: {  	v23 =	vor.u32 s11, v2;
	v13 =	vld [tilespmem:s10+$0x10];
	vm0 =	vgt.f32 v12, v18;
	v14 =	vsel vm1, v14, v18  }
0x52: {  	v24 =	vsel vm0, v12, v18;
	v23 =	vsel vm1, v23, v17;
	v12 =	vld [tilespmem:s10+$0x20];
	vm1 =	vgt.f32 v19, v14  }
0x53: {  	s12 =	simm.s32 $0x20;
	v8 =	vor.u32 s8, v2;
	v20 =	vor.u32 s11, v0;
	v18 =	vsel vm1, v19, v14;
	v14 =	vld [tilespmem:s10+$0x30]  }
0x54: {  	v22 =	vor.u32 s12, v2;
	v15 =	vsel vm0, v20, v15;
	vm0 =	vgt.f32 v16, v24  }
0x55: {  	v21 =	vor.u32 s12, v0;
	v17 =	vsel vm0, v16, v24;
	v16 =	vsel vm1, v22, v23  }
0x56: {  	s9 =	simm.s32 $0x0;
	v15 =	vsel vm0, v21, v15;
	s10 =	simm.s32 $0xC0;
	vm0 =	vgt.f32 v11, v17;
	vm1 =	vgt.f32 v13, v18  }
.LBB2_4:
0x57: {  	v19 =	vld [tilespmem:s10+$0xFFFFFFC0];
	v11 =	vsel vm0, v11, v17;
	v13 =	vsel vm1, v13, v18;
	v10 =	vsel vm1, v10, v16  }
0x58: {  	s9 =	sadd.s32 $0x4, s9;
	v9 =	vsel vm0, v9, v15;
	v16 =	vld [tilespmem:s10+$0xFFFFFFD0];
	vm0 =	vgt.f32 v12, v11;
	vm1 =	vgt.f32 v14, v13  }
0x59: {  	s8 =	sadd.s32 $0x80, s8;
	p0 =	slt.u32 s9, $0x7C;
	v15 =	vld [tilespmem:s10+$0xFFFFFFE0];
	v17 =	vsel vm0, v12, v11;
	v14 =	vsel vm1, v14, v13;
	v18 =	vsel vm1, v8, v10  }
0x5a: {  	s11 =	sadd.s32 $0xFFFFFFE0, s8;
	v21 =	vsel vm0, v7, v9;
	v7 =	vor.u32 s8, v0;
	v20 =	vld [tilespmem:s10+$0xFFFFFFF0]  }
0x5b: {  	s12 =	sadd.s32 $0xFFFFFFA0, s8;
	s13 =	sadd.s32 $0xFFFFFFC0, s8;
	v9 =	vor.u32 s11, v0;
	v10 =	vor.u32 s11, v2;
	v8 =	vor.u32 s8, v2;
	v11 =	vld [tilespmem:s10+$0x0]  }
0x5c: {  	v22 =	vor.u32 s12, v0;
	v23 =	vor.u32 s13, v0;
	v24 =	vor.u32 s13, v2;
	v13 =	vld [tilespmem:s10+$0x10]  }
.Ltmp1:
0x5d: {  	v25 =	vor.u32 s12, v2;
	vm0 =	vgt.f32 v19, v17;
	vm1 =	vgt.f32 v16, v14;
	v12 =	vld [tilespmem:s10+$0x20];
	(pc) =	sbr.rel @p0 .LBB2_4-.Ltmp1, $4  }
0x5e: {  	v17 =	vsel vm0, v19, v17;
	v16 =	vsel vm1, v16, v14;
	v19 =	vsel vm1, v25, v18;
	v14 =	vld [tilespmem:s10+$0x30]  }
0x5f: {  	v21 =	vsel vm0, v22, v21;
	vm0 =	vgt.f32 v15, v17;
	vm1 =	vgt.f32 v20, v16  }
0x60: {  	v17 =	vsel vm0, v15, v17;
	v18 =	vsel vm1, v20, v16;
	v16 =	vsel vm1, v24, v19  }
0x61: {  	s10 =	sadd.s32 $0x80, s10;
	v15 =	vsel vm0, v23, v21;
	vm0 =	vgt.f32 v11, v17;
	vm1 =	vgt.f32 v13, v18  }
0x62: {  	_ =	swait.ge [sflag:s26], $0x1000  }
0x63: {  	[sflag:s26] =	ssyncset.done $0x0  }
0x64: {  	s10 =	simm.s32 $0x1040;
	[sflag:s26] =	ssyncadd.s32 $0xFFFFF000  }
0x65: {  	v10 =	vsel vm1, v10, v16;
	v16 =	vld [tilespmem:s10+$0xFFFFFFD0]  }
0x66: {  	v11 =	vsel vm0, v11, v17;
	v17 =	vld [tilespmem:s10+$0xFFFFFFC0]  }
0x67: {  	v13 =	vsel vm1, v13, v18;
	v9 =	vsel vm0, v9, v15;
	s11 =	simm.s32 $0x1000;
	s12 =	simm.s32 $0x1020;
	vm1 =	vgt.f32 v12, v11;
	v20 =	vld [tilespmem:s10+$0xFFFFFFF0]  }
0x68: {  	vm2 =	vgt.f32 v14, v13;
	v21 =	vor.u32 s11, v0;
	v22 =	vor.u32 s12, v0  }
0x69: {  	v23 =	vor.u32 s12, v2;
	v24 =	vor.u32 s11, v2;
	v14 =	vsel vm2, v14, v13;
	v15 =	vld [tilespmem:s10+$0xFFFFFFE0]  }
0x6a: {  	v12 =	vsel vm1, v12, v11;
	v19 =	vsel vm1, v7, v9;
	v11 =	vld [tilespmem:s10+$0x0];
	vm1 =	vgt.f32 v16, v14  }
0x6b: {  	v18 =	vsel vm2, v8, v10;
	v13 =	vld [tilespmem:s10+$0x10];
	vm0 =	vgt.f32 v17, v12;
	v14 =	vsel vm1, v16, v14  }
0x6c: {  	s8 =	simm.s32 $0x1060;
	s9 =	simm.s32 $0x1040;
	v17 =	vsel vm0, v17, v12;
	v16 =	vsel vm1, v24, v18;
	v12 =	vld [tilespmem:s10+$0x20];
	vm1 =	vgt.f32 v20, v14  }
0x6d: {  	v7 =	vor.u32 s8, v0;
	v9 =	vor.u32 s9, v0;
	v18 =	vsel vm1, v20, v14;
	v14 =	vld [tilespmem:s10+$0x30]  }
0x6e: {  	v10 =	vor.u32 s9, v2;
	v19 =	vsel vm0, v21, v19;
	vm0 =	vgt.f32 v15, v17  }
0x6f: {  	v8 =	vor.u32 s8, v2;
	v17 =	vsel vm0, v15, v17;
	v16 =	vsel vm1, v23, v16  }
0x70: {  	s9 =	simm.s32 $0x0;
	v15 =	vsel vm0, v22, v19;
	s10 =	simm.s32 $0x10C0;
	vm0 =	vgt.f32 v11, v17;
	vm1 =	vgt.f32 v13, v18  }
.LBB2_6:
0x71: {  	v19 =	vld [tilespmem:s10+$0xFFFFFFC0];
	v11 =	vsel vm0, v11, v17;
	v13 =	vsel vm1, v13, v18;
	v10 =	vsel vm1, v10, v16  }
0x72: {  	s9 =	sadd.s32 $0x4, s9;
	v9 =	vsel vm0, v9, v15;
	v16 =	vld [tilespmem:s10+$0xFFFFFFD0];
	vm0 =	vgt.f32 v12, v11;
	vm1 =	vgt.f32 v14, v13  }
0x73: {  	s8 =	sadd.s32 $0x80, s8;
	p0 =	slt.u32 s9, $0x7C;
	v15 =	vld [tilespmem:s10+$0xFFFFFFE0];
	v17 =	vsel vm0, v12, v11;
	v14 =	vsel vm1, v14, v13;
	v18 =	vsel vm1, v8, v10  }
0x74: {  	s11 =	sadd.s32 $0xFFFFFFE0, s8;
	v21 =	vsel vm0, v7, v9;
	v7 =	vor.u32 s8, v0;
	v20 =	vld [tilespmem:s10+$0xFFFFFFF0]  }
0x75: {  	s12 =	sadd.s32 $0xFFFFFFA0, s8;
	s13 =	sadd.s32 $0xFFFFFFC0, s8;
	v9 =	vor.u32 s11, v0;
	v10 =	vor.u32 s11, v2;
	v8 =	vor.u32 s8, v2;
	v11 =	vld [tilespmem:s10+$0x0]  }
0x76: {  	v22 =	vor.u32 s12, v0;
	v23 =	vor.u32 s13, v0;
	v24 =	vor.u32 s13, v2;
	v13 =	vld [tilespmem:s10+$0x10]  }
.Ltmp2:
0x77: {  	v25 =	vor.u32 s12, v2;
	vm0 =	vgt.f32 v19, v17;
	vm1 =	vgt.f32 v16, v14;
	v12 =	vld [tilespmem:s10+$0x20];
	(pc) =	sbr.rel @p0 .LBB2_6-.Ltmp2, $4  }
0x78: {  	v17 =	vsel vm0, v19, v17;
	v16 =	vsel vm1, v16, v14;
	v19 =	vsel vm1, v25, v18;
	v14 =	vld [tilespmem:s10+$0x30]  }
0x79: {  	v21 =	vsel vm0, v22, v21;
	vm0 =	vgt.f32 v15, v17;
	vm1 =	vgt.f32 v20, v16  }
0x7a: {  	v17 =	vsel vm0, v15, v17;
	v18 =	vsel vm1, v20, v16;
	v16 =	vsel vm1, v24, v19  }
0x7b: {  	s10 =	sadd.s32 $0x80, s10;
	v15 =	vsel vm0, v23, v21;
	vm0 =	vgt.f32 v11, v17;
	vm1 =	vgt.f32 v13, v18  }
0x7c: {  	_ =	swait.ge [sflag:s28], $0x1000  }
0x7d: {  	[sflag:s28] =	ssyncset.done $0x0  }
0x7e: {  	s10 =	simm.s32 $0x2040;
	[sflag:s28] =	ssyncadd.s32 $0xFFFFF000  }
0x7f: {  	v10 =	vsel vm1, v10, v16;
	v16 =	vld [tilespmem:s10+$0xFFFFFFD0]  }
0x80: {  	v11 =	vsel vm0, v11, v17;
	v17 =	vld [tilespmem:s10+$0xFFFFFFC0]  }
0x81: {  	v13 =	vsel vm1, v13, v18;
	v9 =	vsel vm0, v9, v15;
	s11 =	simm.s32 $0x2000;
	s12 =	simm.s32 $0x2020;
	vm1 =	vgt.f32 v12, v11;
	v20 =	vld [tilespmem:s10+$0xFFFFFFF0]  }
0x82: {  	vm2 =	vgt.f32 v14, v13;
	v21 =	vor.u32 s11, v0;
	v22 =	vor.u32 s12, v0  }
0x83: {  	v23 =	vor.u32 s12, v2;
	v24 =	vor.u32 s11, v2;
	v14 =	vsel vm2, v14, v13;
	v15 =	vld [tilespmem:s10+$0xFFFFFFE0]  }
0x84: {  	v12 =	vsel vm1, v12, v11;
	v19 =	vsel vm1, v7, v9;
	v11 =	vld [tilespmem:s10+$0x0];
	vm1 =	vgt.f32 v16, v14  }
0x85: {  	v18 =	vsel vm2, v8, v10;
	v13 =	vld [tilespmem:s10+$0x10];
	vm0 =	vgt.f32 v17, v12;
	v14 =	vsel vm1, v16, v14  }
0x86: {  	s8 =	simm.s32 $0x2060;
	s9 =	simm.s32 $0x2040;
	v17 =	vsel vm0, v17, v12;
	v16 =	vsel vm1, v24, v18;
	v12 =	vld [tilespmem:s10+$0x20];
	vm1 =	vgt.f32 v20, v14  }
0x87: {  	v7 =	vor.u32 s8, v0;
	v9 =	vor.u32 s9, v0;
	v18 =	vsel vm1, v20, v14;
	v14 =	vld [tilespmem:s10+$0x30]  }
0x88: {  	v10 =	vor.u32 s9, v2;
	v19 =	vsel vm0, v21, v19;
	vm0 =	vgt.f32 v15, v17  }
0x89: {  	v8 =	vor.u32 s8, v2;
	v17 =	vsel vm0, v15, v17;
	v16 =	vsel vm1, v23, v16  }
0x8a: {  	s9 =	simm.s32 $0x0;
	v15 =	vsel vm0, v22, v19;
	s10 =	simm.s32 $0x20C0;
	vm0 =	vgt.f32 v11, v17;
	vm1 =	vgt.f32 v13, v18  }
.LBB2_8:
0x8b: {  	v19 =	vld [tilespmem:s10+$0xFFFFFFC0];
	v11 =	vsel vm0, v11, v17;
	v13 =	vsel vm1, v13, v18;
	v10 =	vsel vm1, v10, v16  }
0x8c: {  	s9 =	sadd.s32 $0x4, s9;
	v9 =	vsel vm0, v9, v15;
	v16 =	vld [tilespmem:s10+$0xFFFFFFD0];
	vm0 =	vgt.f32 v12, v11;
	vm1 =	vgt.f32 v14, v13  }
0x8d: {  	s8 =	sadd.s32 $0x80, s8;
	p0 =	slt.u32 s9, $0x7C;
	v15 =	vld [tilespmem:s10+$0xFFFFFFE0];
	v17 =	vsel vm0, v12, v11;
	v14 =	vsel vm1, v14, v13;
	v18 =	vsel vm1, v8, v10  }
0x8e: {  	s11 =	sadd.s32 $0xFFFFFFE0, s8;
	v21 =	vsel vm0, v7, v9;
	v7 =	vor.u32 s8, v0;
	v20 =	vld [tilespmem:s10+$0xFFFFFFF0]  }
0x8f: {  	s12 =	sadd.s32 $0xFFFFFFA0, s8;
	s13 =	sadd.s32 $0xFFFFFFC0, s8;
	v9 =	vor.u32 s11, v0;
	v10 =	vor.u32 s11, v2;
	v8 =	vor.u32 s8, v2;
	v11 =	vld [tilespmem:s10+$0x0]  }
0x90: {  	v22 =	vor.u32 s12, v0;
	v23 =	vor.u32 s13, v0;
	v24 =	vor.u32 s13, v2;
	v13 =	vld [tilespmem:s10+$0x10]  }
.Ltmp3:
0x91: {  	v25 =	vor.u32 s12, v2;
	vm0 =	vgt.f32 v19, v17;
	vm1 =	vgt.f32 v16, v14;
	v12 =	vld [tilespmem:s10+$0x20];
	(pc) =	sbr.rel @p0 .LBB2_8-.Ltmp3, $4  }
0x92: {  	v17 =	vsel vm0, v19, v17;
	v16 =	vsel vm1, v16, v14;
	v19 =	vsel vm1, v25, v18;
	v14 =	vld [tilespmem:s10+$0x30]  }
0x93: {  	v21 =	vsel vm0, v22, v21;
	vm0 =	vgt.f32 v15, v17;
	vm1 =	vgt.f32 v20, v16  }
0x94: {  	v17 =	vsel vm0, v15, v17;
	v18 =	vsel vm1, v20, v16;
	v16 =	vsel vm1, v24, v19  }
0x95: {  	s10 =	sadd.s32 $0x80, s10;
	v15 =	vsel vm0, v23, v21;
	vm0 =	vgt.f32 v11, v17;
	vm1 =	vgt.f32 v13, v18  }
0x96: {  	_ =	swait.ge [sflag:s29], $0x1000  }
0x97: {  	[sflag:s29] =	ssyncset.done $0x0  }
0x98: {  	s10 =	simm.s32 $0x3040;
	[sflag:s29] =	ssyncadd.s32 $0xFFFFF000  }
0x99: {  	v10 =	vsel vm1, v10, v16;
	v16 =	vld [tilespmem:s10+$0xFFFFFFD0]  }
0x9a: {  	v11 =	vsel vm0, v11, v17;
	v17 =	vld [tilespmem:s10+$0xFFFFFFC0]  }
0x9b: {  	v13 =	vsel vm1, v13, v18;
	v9 =	vsel vm0, v9, v15;
	s11 =	simm.s32 $0x3000;
	s12 =	simm.s32 $0x3020;
	vm1 =	vgt.f32 v12, v11;
	v20 =	vld [tilespmem:s10+$0xFFFFFFF0]  }
0x9c: {  	vm2 =	vgt.f32 v14, v13;
	v21 =	vor.u32 s11, v0;
	v22 =	vor.u32 s12, v0  }
0x9d: {  	v23 =	vor.u32 s12, v2;
	v24 =	vor.u32 s11, v2;
	v14 =	vsel vm2, v14, v13;
	v15 =	vld [tilespmem:s10+$0xFFFFFFE0]  }
0x9e: {  	v12 =	vsel vm1, v12, v11;
	v19 =	vsel vm1, v7, v9;
	v11 =	vld [tilespmem:s10+$0x0];
	vm1 =	vgt.f32 v16, v14  }
0x9f: {  	v18 =	vsel vm2, v8, v10;
	v13 =	vld [tilespmem:s10+$0x10];
	vm0 =	vgt.f32 v17, v12;
	v14 =	vsel vm1, v16, v14  }
0xa0: {  	s8 =	simm.s32 $0x3060;
	s9 =	simm.s32 $0x3040;
	v17 =	vsel vm0, v17, v12;
	v16 =	vsel vm1, v24, v18;
	v12 =	vld [tilespmem:s10+$0x20];
	vm1 =	vgt.f32 v20, v14  }
0xa1: {  	v7 =	vor.u32 s8, v0;
	v9 =	vor.u32 s9, v0;
	v18 =	vsel vm1, v20, v14;
	v14 =	vld [tilespmem:s10+$0x30]  }
0xa2: {  	v10 =	vor.u32 s9, v2;
	v19 =	vsel vm0, v21, v19;
	vm0 =	vgt.f32 v15, v17  }
0xa3: {  	v8 =	vor.u32 s8, v2;
	v17 =	vsel vm0, v15, v17;
	v16 =	vsel vm1, v23, v16  }
0xa4: {  	s9 =	simm.s32 $0x0;
	v15 =	vsel vm0, v22, v19;
	s10 =	simm.s32 $0x30C0;
	vm0 =	vgt.f32 v11, v17;
	vm1 =	vgt.f32 v13, v18  }
.LBB2_10:
0xa5: {  	v19 =	vld [tilespmem:s10+$0xFFFFFFC0];
	v11 =	vsel vm0, v11, v17;
	v13 =	vsel vm1, v13, v18;
	v10 =	vsel vm1, v10, v16  }
0xa6: {  	s9 =	sadd.s32 $0x4, s9;
	v9 =	vsel vm0, v9, v15;
	v16 =	vld [tilespmem:s10+$0xFFFFFFD0];
	vm0 =	vgt.f32 v12, v11;
	vm1 =	vgt.f32 v14, v13  }
0xa7: {  	s8 =	sadd.s32 $0x80, s8;
	p0 =	slt.u32 s9, $0x7C;
	v15 =	vld [tilespmem:s10+$0xFFFFFFE0];
	v17 =	vsel vm0, v12, v11;
	v14 =	vsel vm1, v14, v13;
	v18 =	vsel vm1, v8, v10  }
0xa8: {  	s11 =	sadd.s32 $0xFFFFFFE0, s8;
	v21 =	vsel vm0, v7, v9;
	v7 =	vor.u32 s8, v0;
	v20 =	vld [tilespmem:s10+$0xFFFFFFF0]  }
0xa9: {  	s12 =	sadd.s32 $0xFFFFFFA0, s8;
	s13 =	sadd.s32 $0xFFFFFFC0, s8;
	v9 =	vor.u32 s11, v0;
	v10 =	vor.u32 s11, v2;
	v8 =	vor.u32 s8, v2;
	v11 =	vld [tilespmem:s10+$0x0]  }
0xaa: {  	v22 =	vor.u32 s12, v0;
	v23 =	vor.u32 s13, v0;
	v24 =	vor.u32 s13, v2;
	v13 =	vld [tilespmem:s10+$0x10]  }
.Ltmp4:
0xab: {  	v25 =	vor.u32 s12, v2;
	vm0 =	vgt.f32 v19, v17;
	vm1 =	vgt.f32 v16, v14;
	v12 =	vld [tilespmem:s10+$0x20];
	(pc) =	sbr.rel @p0 .LBB2_10-.Ltmp4, $4  }
0xac: {  	v17 =	vsel vm0, v19, v17;
	v16 =	vsel vm1, v16, v14;
	v19 =	vsel vm1, v25, v18;
	v14 =	vld [tilespmem:s10+$0x30]  }
0xad: {  	v21 =	vsel vm0, v22, v21;
	vm0 =	vgt.f32 v15, v17;
	vm1 =	vgt.f32 v20, v16  }
0xae: {  	v17 =	vsel vm0, v15, v17;
	v18 =	vsel vm1, v20, v16;
	v16 =	vsel vm1, v24, v19  }
0xaf: {  	s10 =	sadd.s32 $0x80, s10;
	v15 =	vsel vm0, v23, v21;
	vm0 =	vgt.f32 v11, v17;
	vm1 =	vgt.f32 v13, v18  }
0xb0: {  	_ =	swait.ge [sflag:s30], $0x1000  }
0xb1: {  	[sflag:s30] =	ssyncset.done $0x0  }
0xb2: {  	s10 =	simm.s32 $0x4040;
	[sflag:s30] =	ssyncadd.s32 $0xFFFFF000  }
0xb3: {  	v10 =	vsel vm1, v10, v16;
	v16 =	vld [tilespmem:s10+$0xFFFFFFD0]  }
0xb4: {  	v11 =	vsel vm0, v11, v17;
	v17 =	vld [tilespmem:s10+$0xFFFFFFC0]  }
0xb5: {  	v13 =	vsel vm1, v13, v18;
	v9 =	vsel vm0, v9, v15;
	s11 =	simm.s32 $0x4000;
	s12 =	simm.s32 $0x4020;
	vm1 =	vgt.f32 v12, v11;
	v20 =	vld [tilespmem:s10+$0xFFFFFFF0]  }
0xb6: {  	vm2 =	vgt.f32 v14, v13;
	v21 =	vor.u32 s11, v0;
	v22 =	vor.u32 s12, v0  }
0xb7: {  	v23 =	vor.u32 s12, v2;
	v24 =	vor.u32 s11, v2;
	v14 =	vsel vm2, v14, v13;
	v15 =	vld [tilespmem:s10+$0xFFFFFFE0]  }
0xb8: {  	v12 =	vsel vm1, v12, v11;
	v19 =	vsel vm1, v7, v9;
	v11 =	vld [tilespmem:s10+$0x0];
	vm1 =	vgt.f32 v16, v14  }
0xb9: {  	v18 =	vsel vm2, v8, v10;
	v13 =	vld [tilespmem:s10+$0x10];
	vm0 =	vgt.f32 v17, v12;
	v14 =	vsel vm1, v16, v14  }
0xba: {  	s8 =	simm.s32 $0x4060;
	s9 =	simm.s32 $0x4040;
	v17 =	vsel vm0, v17, v12;
	v16 =	vsel vm1, v24, v18;
	v12 =	vld [tilespmem:s10+$0x20];
	vm1 =	vgt.f32 v20, v14  }
0xbb: {  	v7 =	vor.u32 s8, v0;
	v9 =	vor.u32 s9, v0;
	v18 =	vsel vm1, v20, v14;
	v14 =	vld [tilespmem:s10+$0x30]  }
0xbc: {  	v10 =	vor.u32 s9, v2;
	v19 =	vsel vm0, v21, v19;
	vm0 =	vgt.f32 v15, v17  }
0xbd: {  	v8 =	vor.u32 s8, v2;
	v17 =	vsel vm0, v15, v17;
	v16 =	vsel vm1, v23, v16  }
0xbe: {  	s9 =	simm.s32 $0x0;
	v15 =	vsel vm0, v22, v19;
	s10 =	simm.s32 $0x40C0;
	vm0 =	vgt.f32 v11, v17;
	vm1 =	vgt.f32 v13, v18  }
.LBB2_12:
0xbf: {  	v19 =	vld [tilespmem:s10+$0xFFFFFFC0];
	v11 =	vsel vm0, v11, v17;
	v13 =	vsel vm1, v13, v18;
	v10 =	vsel vm1, v10, v16  }
0xc0: {  	s9 =	sadd.s32 $0x4, s9;
	v9 =	vsel vm0, v9, v15;
	v16 =	vld [tilespmem:s10+$0xFFFFFFD0];
	vm0 =	vgt.f32 v12, v11;
	vm1 =	vgt.f32 v14, v13  }
0xc1: {  	s8 =	sadd.s32 $0x80, s8;
	p0 =	slt.u32 s9, $0x7C;
	v15 =	vld [tilespmem:s10+$0xFFFFFFE0];
	v17 =	vsel vm0, v12, v11;
	v14 =	vsel vm1, v14, v13;
	v18 =	vsel vm1, v8, v10  }
0xc2: {  	s11 =	sadd.s32 $0xFFFFFFE0, s8;
	v21 =	vsel vm0, v7, v9;
	v7 =	vor.u32 s8, v0;
	v20 =	vld [tilespmem:s10+$0xFFFFFFF0]  }
0xc3: {  	s12 =	sadd.s32 $0xFFFFFFA0, s8;
	s13 =	sadd.s32 $0xFFFFFFC0, s8;
	v9 =	vor.u32 s11, v0;
	v10 =	vor.u32 s11, v2;
	v8 =	vor.u32 s8, v2;
	v11 =	vld [tilespmem:s10+$0x0]  }
0xc4: {  	v22 =	vor.u32 s12, v0;
	v23 =	vor.u32 s13, v0;
	v24 =	vor.u32 s13, v2;
	v13 =	vld [tilespmem:s10+$0x10]  }
.Ltmp5:
0xc5: {  	v25 =	vor.u32 s12, v2;
	vm0 =	vgt.f32 v19, v17;
	vm1 =	vgt.f32 v16, v14;
	v12 =	vld [tilespmem:s10+$0x20];
	(pc) =	sbr.rel @p0 .LBB2_12-.Ltmp5, $4  }
0xc6: {  	v17 =	vsel vm0, v19, v17;
	v16 =	vsel vm1, v16, v14;
	v19 =	vsel vm1, v25, v18;
	v14 =	vld [tilespmem:s10+$0x30]  }
0xc7: {  	v21 =	vsel vm0, v22, v21;
	vm0 =	vgt.f32 v15, v17;
	vm1 =	vgt.f32 v20, v16  }
0xc8: {  	v17 =	vsel vm0, v15, v17;
	v18 =	vsel vm1, v20, v16;
	v16 =	vsel vm1, v24, v19  }
0xc9: {  	s10 =	sadd.s32 $0x80, s10;
	v15 =	vsel vm0, v23, v21;
	vm0 =	vgt.f32 v11, v17;
	vm1 =	vgt.f32 v13, v18  }
0xca: {  	_ =	swait.ge [sflag:s31], $0x1000  }
0xcb: {  	[sflag:s31] =	ssyncset.done $0x0  }
0xcc: {  	s10 =	simm.s32 $0x5040;
	[sflag:s31] =	ssyncadd.s32 $0xFFFFF000  }
0xcd: {  	v10 =	vsel vm1, v10, v16;
	v16 =	vld [tilespmem:s10+$0xFFFFFFD0]  }
0xce: {  	v11 =	vsel vm0, v11, v17;
	v17 =	vld [tilespmem:s10+$0xFFFFFFC0]  }
0xcf: {  	v13 =	vsel vm1, v13, v18;
	v9 =	vsel vm0, v9, v15;
	s11 =	simm.s32 $0x5000;
	s12 =	simm.s32 $0x5020;
	vm1 =	vgt.f32 v12, v11;
	v20 =	vld [tilespmem:s10+$0xFFFFFFF0]  }
0xd0: {  	vm2 =	vgt.f32 v14, v13;
	v21 =	vor.u32 s11, v0;
	v22 =	vor.u32 s12, v0  }
0xd1: {  	v23 =	vor.u32 s12, v2;
	v24 =	vor.u32 s11, v2;
	v14 =	vsel vm2, v14, v13;
	v15 =	vld [tilespmem:s10+$0xFFFFFFE0]  }
0xd2: {  	v12 =	vsel vm1, v12, v11;
	v19 =	vsel vm1, v7, v9;
	v11 =	vld [tilespmem:s10+$0x0];
	vm1 =	vgt.f32 v16, v14  }
0xd3: {  	v18 =	vsel vm2, v8, v10;
	v13 =	vld [tilespmem:s10+$0x10];
	vm0 =	vgt.f32 v17, v12;
	v14 =	vsel vm1, v16, v14  }
0xd4: {  	s8 =	simm.s32 $0x5060;
	s9 =	simm.s32 $0x5040;
	v17 =	vsel vm0, v17, v12;
	v16 =	vsel vm1, v24, v18;
	v12 =	vld [tilespmem:s10+$0x20];
	vm1 =	vgt.f32 v20, v14  }
0xd5: {  	v7 =	vor.u32 s8, v0;
	v9 =	vor.u32 s9, v0;
	v18 =	vsel vm1, v20, v14;
	v14 =	vld [tilespmem:s10+$0x30]  }
0xd6: {  	v10 =	vor.u32 s9, v2;
	v19 =	vsel vm0, v21, v19;
	vm0 =	vgt.f32 v15, v17  }
0xd7: {  	v8 =	vor.u32 s8, v2;
	v17 =	vsel vm0, v15, v17;
	v16 =	vsel vm1, v23, v16  }
0xd8: {  	s9 =	simm.s32 $0x0;
	v15 =	vsel vm0, v22, v19;
	s10 =	simm.s32 $0x50C0;
	vm0 =	vgt.f32 v11, v17;
	vm1 =	vgt.f32 v13, v18  }
.LBB2_14:
0xd9: {  	v19 =	vld [tilespmem:s10+$0xFFFFFFC0];
	v11 =	vsel vm0, v11, v17;
	v13 =	vsel vm1, v13, v18;
	v10 =	vsel vm1, v10, v16  }
0xda: {  	s9 =	sadd.s32 $0x4, s9;
	v9 =	vsel vm0, v9, v15;
	v16 =	vld [tilespmem:s10+$0xFFFFFFD0];
	vm0 =	vgt.f32 v12, v11;
	vm1 =	vgt.f32 v14, v13  }
0xdb: {  	s8 =	sadd.s32 $0x80, s8;
	p0 =	slt.u32 s9, $0x7C;
	v15 =	vld [tilespmem:s10+$0xFFFFFFE0];
	v17 =	vsel vm0, v12, v11;
	v14 =	vsel vm1, v14, v13;
	v18 =	vsel vm1, v8, v10  }
0xdc: {  	s11 =	sadd.s32 $0xFFFFFFE0, s8;
	v21 =	vsel vm0, v7, v9;
	v7 =	vor.u32 s8, v0;
	v20 =	vld [tilespmem:s10+$0xFFFFFFF0]  }
0xdd: {  	s12 =	sadd.s32 $0xFFFFFFA0, s8;
	s13 =	sadd.s32 $0xFFFFFFC0, s8;
	v9 =	vor.u32 s11, v0;
	v10 =	vor.u32 s11, v2;
	v8 =	vor.u32 s8, v2;
	v11 =	vld [tilespmem:s10+$0x0]  }
0xde: {  	v22 =	vor.u32 s12, v0;
	v23 =	vor.u32 s13, v0;
	v24 =	vor.u32 s13, v2;
	v13 =	vld [tilespmem:s10+$0x10]  }
.Ltmp6:
0xdf: {  	v25 =	vor.u32 s12, v2;
	vm0 =	vgt.f32 v19, v17;
	vm1 =	vgt.f32 v16, v14;
	v12 =	vld [tilespmem:s10+$0x20];
	(pc) =	sbr.rel @p0 .LBB2_14-.Ltmp6, $4  }
0xe0: {  	v17 =	vsel vm0, v19, v17;
	v16 =	vsel vm1, v16, v14;
	v19 =	vsel vm1, v25, v18;
	v14 =	vld [tilespmem:s10+$0x30]  }
0xe1: {  	v21 =	vsel vm0, v22, v21;
	vm0 =	vgt.f32 v15, v17;
	vm1 =	vgt.f32 v20, v16  }
0xe2: {  	v17 =	vsel vm0, v15, v17;
	v18 =	vsel vm1, v20, v16;
	v16 =	vsel vm1, v24, v19  }
0xe3: {  	s10 =	sadd.s32 $0x80, s10;
	v15 =	vsel vm0, v23, v21;
	vm0 =	vgt.f32 v11, v17;
	vm1 =	vgt.f32 v13, v18  }
0xe4: {  	_ =	swait.ge [sflag:s0], $0x1000  }
0xe5: {  	[sflag:s0] =	ssyncset.done $0x0  }
0xe6: {  	s10 =	simm.s32 $0x6040;
	[sflag:s0] =	ssyncadd.s32 $0xFFFFF000  }
0xe7: {  	v10 =	vsel vm1, v10, v16;
	v16 =	vld [tilespmem:s10+$0xFFFFFFD0]  }
0xe8: {  	v11 =	vsel vm0, v11, v17;
	v17 =	vld [tilespmem:s10+$0xFFFFFFC0]  }
0xe9: {  	v13 =	vsel vm1, v13, v18;
	v9 =	vsel vm0, v9, v15;
	s11 =	simm.s32 $0x6000;
	s12 =	simm.s32 $0x6020;
	vm1 =	vgt.f32 v12, v11;
	v20 =	vld [tilespmem:s10+$0xFFFFFFF0]  }
0xea: {  	vm2 =	vgt.f32 v14, v13;
	v21 =	vor.u32 s11, v0;
	v22 =	vor.u32 s12, v0  }
0xeb: {  	v23 =	vor.u32 s12, v2;
	v24 =	vor.u32 s11, v2;
	v14 =	vsel vm2, v14, v13;
	v15 =	vld [tilespmem:s10+$0xFFFFFFE0]  }
0xec: {  	v12 =	vsel vm1, v12, v11;
	v19 =	vsel vm1, v7, v9;
	v11 =	vld [tilespmem:s10+$0x0];
	vm1 =	vgt.f32 v16, v14  }
0xed: {  	v18 =	vsel vm2, v8, v10;
	v13 =	vld [tilespmem:s10+$0x10];
	vm0 =	vgt.f32 v17, v12;
	v14 =	vsel vm1, v16, v14  }
0xee: {  	s8 =	simm.s32 $0x6060;
	s9 =	simm.s32 $0x6040;
	v17 =	vsel vm0, v17, v12;
	v16 =	vsel vm1, v24, v18;
	v12 =	vld [tilespmem:s10+$0x20];
	vm1 =	vgt.f32 v20, v14  }
0xef: {  	v7 =	vor.u32 s8, v0;
	v9 =	vor.u32 s9, v0;
	v18 =	vsel vm1, v20, v14;
	v14 =	vld [tilespmem:s10+$0x30]  }
0xf0: {  	v10 =	vor.u32 s9, v2;
	v19 =	vsel vm0, v21, v19;
	vm0 =	vgt.f32 v15, v17  }
0xf1: {  	v8 =	vor.u32 s8, v2;
	v17 =	vsel vm0, v15, v17;
	v16 =	vsel vm1, v23, v16  }
0xf2: {  	s9 =	simm.s32 $0x0;
	v15 =	vsel vm0, v22, v19;
	s10 =	simm.s32 $0x60C0;
	vm0 =	vgt.f32 v11, v17;
	vm1 =	vgt.f32 v13, v18  }
.LBB2_16:
0xf3: {  	v19 =	vld [tilespmem:s10+$0xFFFFFFC0];
	v11 =	vsel vm0, v11, v17;
	v13 =	vsel vm1, v13, v18;
	v10 =	vsel vm1, v10, v16  }
0xf4: {  	s9 =	sadd.s32 $0x4, s9;
	v9 =	vsel vm0, v9, v15;
	v16 =	vld [tilespmem:s10+$0xFFFFFFD0];
	vm0 =	vgt.f32 v12, v11;
	vm1 =	vgt.f32 v14, v13  }
0xf5: {  	s8 =	sadd.s32 $0x80, s8;
	p0 =	slt.u32 s9, $0x7C;
	v15 =	vld [tilespmem:s10+$0xFFFFFFE0];
	v17 =	vsel vm0, v12, v11;
	v14 =	vsel vm1, v14, v13;
	v18 =	vsel vm1, v8, v10  }
0xf6: {  	s11 =	sadd.s32 $0xFFFFFFE0, s8;
	v21 =	vsel vm0, v7, v9;
	v7 =	vor.u32 s8, v0;
	v20 =	vld [tilespmem:s10+$0xFFFFFFF0]  }
0xf7: {  	s12 =	sadd.s32 $0xFFFFFFA0, s8;
	s13 =	sadd.s32 $0xFFFFFFC0, s8;
	v9 =	vor.u32 s11, v0;
	v10 =	vor.u32 s11, v2;
	v8 =	vor.u32 s8, v2;
	v11 =	vld [tilespmem:s10+$0x0]  }
0xf8: {  	v22 =	vor.u32 s12, v0;
	v23 =	vor.u32 s13, v0;
	v24 =	vor.u32 s13, v2;
	v13 =	vld [tilespmem:s10+$0x10]  }
.Ltmp7:
0xf9: {  	v25 =	vor.u32 s12, v2;
	vm0 =	vgt.f32 v19, v17;
	vm1 =	vgt.f32 v16, v14;
	v12 =	vld [tilespmem:s10+$0x20];
	(pc) =	sbr.rel @p0 .LBB2_16-.Ltmp7, $4  }
0xfa: {  	v17 =	vsel vm0, v19, v17;
	v16 =	vsel vm1, v16, v14;
	v19 =	vsel vm1, v25, v18;
	v14 =	vld [tilespmem:s10+$0x30]  }
0xfb: {  	v21 =	vsel vm0, v22, v21;
	vm0 =	vgt.f32 v15, v17;
	vm1 =	vgt.f32 v20, v16  }
0xfc: {  	v17 =	vsel vm0, v15, v17;
	v18 =	vsel vm1, v20, v16;
	v16 =	vsel vm1, v24, v19  }
0xfd: {  	s10 =	sadd.s32 $0x80, s10;
	v15 =	vsel vm0, v23, v21;
	vm0 =	vgt.f32 v11, v17;
	vm1 =	vgt.f32 v13, v18  }
0xfe: {  	_ =	swait.ge [sflag:s1], $0x1000  }
0xff: {  	[sflag:s1] =	ssyncset.done $0x0  }
0x100: {  	s10 =	simm.s32 $0x7040;
	[sflag:s1] =	ssyncadd.s32 $0xFFFFF000  }
0x101: {  	v11 =	vsel vm0, v11, v17;
	v17 =	vld [tilespmem:s10+$0xFFFFFFC0]  }
0x102: {  	v10 =	vsel vm1, v10, v16;
	v16 =	vld [tilespmem:s10+$0xFFFFFFD0]  }
0x103: {  	v9 =	vsel vm0, v9, v15;
	v15 =	vld [tilespmem:s10+$0xFFFFFFE0]  }
0x104: {  	v13 =	vsel vm1, v13, v18;
	s11 =	simm.s32 $0x7000;
	vm1 =	vgt.f32 v12, v11;
	v20 =	vld [tilespmem:s10+$0xFFFFFFF0]  }
0x105: {  	vm2 =	vgt.f32 v14, v13;
	v21 =	vor.u32 s11, v0;
	v24 =	vor.u32 s11, v2  }
0x106: {  	v12 =	vsel vm1, v12, v11;
	v14 =	vsel vm2, v14, v13;
	v18 =	vsel vm2, v8, v10  }
0x107: {  	v19 =	vsel vm1, v7, v9;
	v11 =	vld [tilespmem:s10+$0x0];
	vm0 =	vgt.f32 v17, v12;
	vm1 =	vgt.f32 v16, v14  }
0x108: {  	v13 =	vld [tilespmem:s10+$0x10];
	v17 =	vsel vm0, v17, v12;
	v14 =	vsel vm1, v16, v14;
	v18 =	vsel vm1, v24, v18  }
0x109: {  	s12 =	simm.s32 $0x7020;
	v19 =	vsel vm0, v21, v19;
	v12 =	vld [tilespmem:s10+$0x20];
	vm0 =	vgt.f32 v15, v17;
	vm1 =	vgt.f32 v20, v14  }
0x10a: {  	s8 =	simm.s32 $0x7060;
	s9 =	simm.s32 $0x7040;
	v22 =	vor.u32 s12, v0;
	v16 =	vsel vm0, v15, v17;
	v17 =	vsel vm1, v20, v14;
	v14 =	vld [tilespmem:s10+$0x30]  }
0x10b: {  	v23 =	vor.u32 s12, v2;
	v7 =	vor.u32 s8, v0;
	v9 =	vor.u32 s9, v0  }
0x10c: {  	v10 =	vor.u32 s9, v2;
	v8 =	vor.u32 s8, v2;
	v18 =	vsel vm1, v23, v18  }
0x10d: {  	s9 =	simm.s32 $0x0;
	v15 =	vsel vm0, v22, v19;
	s10 =	simm.s32 $0x70C0;
	vm0 =	vgt.f32 v11, v16;
	vm1 =	vgt.f32 v13, v17  }
.LBB2_18:
0x10e: {  	v19 =	vld [tilespmem:s10+$0xFFFFFFC0];
	v11 =	vsel vm0, v11, v16;
	v13 =	vsel vm1, v13, v17;
	v10 =	vsel vm1, v10, v18  }
0x10f: {  	s9 =	sadd.s32 $0x4, s9;
	v9 =	vsel vm0, v9, v15;
	v16 =	vld [tilespmem:s10+$0xFFFFFFD0];
	vm0 =	vgt.f32 v12, v11;
	vm1 =	vgt.f32 v14, v13  }
0x110: {  	s8 =	sadd.s32 $0x80, s8;
	p0 =	slt.u32 s9, $0x7C;
	v15 =	vld [tilespmem:s10+$0xFFFFFFE0];
	v17 =	vsel vm0, v12, v11;
	v14 =	vsel vm1, v14, v13;
	v18 =	vsel vm1, v8, v10  }
0x111: {  	s11 =	sadd.s32 $0xFFFFFFE0, s8;
	v21 =	vsel vm0, v7, v9;
	v7 =	vor.u32 s8, v0;
	v20 =	vld [tilespmem:s10+$0xFFFFFFF0]  }
0x112: {  	s12 =	sadd.s32 $0xFFFFFFA0, s8;
	s13 =	sadd.s32 $0xFFFFFFC0, s8;
	v9 =	vor.u32 s11, v0;
	v10 =	vor.u32 s11, v2;
	v8 =	vor.u32 s8, v2;
	v11 =	vld [tilespmem:s10+$0x0]  }
0x113: {  	v22 =	vor.u32 s12, v0;
	v23 =	vor.u32 s13, v0;
	v24 =	vor.u32 s13, v2;
	v13 =	vld [tilespmem:s10+$0x10]  }
.Ltmp8:
0x114: {  	v25 =	vor.u32 s12, v2;
	vm0 =	vgt.f32 v19, v17;
	vm1 =	vgt.f32 v16, v14;
	v12 =	vld [tilespmem:s10+$0x20];
	(pc) =	sbr.rel @p0 .LBB2_18-.Ltmp8, $4  }
0x115: {  	v17 =	vsel vm0, v19, v17;
	v19 =	vsel vm1, v16, v14;
	v18 =	vsel vm1, v25, v18;
	v14 =	vld [tilespmem:s10+$0x30]  }
0x116: {  	v21 =	vsel vm0, v22, v21;
	vm0 =	vgt.f32 v15, v17;
	vm1 =	vgt.f32 v20, v19  }
0x117: {  	v16 =	vsel vm0, v15, v17;
	v17 =	vsel vm1, v20, v19;
	v18 =	vsel vm1, v24, v18  }
0x118: {  	s10 =	sadd.s32 $0x80, s10;
	v15 =	vsel vm0, v23, v21;
	vm0 =	vgt.f32 v11, v16;
	vm1 =	vgt.f32 v13, v17  }
0x119: {  	v11 =	vsel vm0, v11, v16  }
0x11a: {  	v13 =	vsel vm1, v13, v17;
	v10 =	vsel vm1, v10, v18;
	vm12 =	vgt.f32 v12, v11  }
0x11b: {  	v9 =	vsel vm0, v9, v15;
	vm13 =	vgt.f32 v14, v13;
	v11 =	vsel vm12, v12, v11  }
0x11c: {  	v61 =	vsel vm13, v14, v13;
	v8 =	vsel vm13, v8, v10;
	v7 =	vsel vm12, v7, v9  }
0x11d: {  	vm14 =	veq.f32 v61, v11;
	vm1 =	vlt.s32 v8, v7  }
0x11e: {  	vm2 =	vgt.f32 v61, v11;
	vm0 =	vmand vm14, vm1  }
0x11f: {  	vm0 =	vmor vm2, vm0  }
0x120: {  	v62 =	vsel vm0, v61, v11;
	v7 =	vsel vm0, v8, v7  }
0x121: {  	v8 =	vperm.xlane v62, v3;
	v63 =	vperm.xlane v7, v3;
	_ =	sdelay $0x1  }
0x122: {  	vm15 =	veq.f32 v8, v62;
	vm4 =	vlt.s32 v63, v7  }
0x123: {  	vm5 =	vgt.f32 v8, v62;
	vm0 =	vmand vm15, vm4  }
0x124: {  	vm0 =	vmor vm5, vm0  }
0x125: {  	v8 =	vsel vm0, v8, v62;
	v7 =	vsel vm0, v63, v7  }
0x126: {  	v9 =	vperm.xlane v8, v4;
	v10 =	vperm.xlane v7, v4;
	_ =	sdelay $0x1  }
0x127: {  	vm6 =	veq.f32 v9, v8;
	vm7 =	vlt.s32 v10, v7  }
0x128: {  	vm8 =	vgt.f32 v9, v8;
	vm0 =	vmand vm6, vm7  }
0x129: {  	vm0 =	vmor vm8, vm0  }
0x12a: {  	v8 =	vsel vm0, v9, v8;
	v7 =	vsel vm0, v10, v7  }
0x12b: {  	v9 =	vperm.xlane v8, v5;
	v10 =	vperm.xlane v7, v5;
	_ =	sdelay $0x1  }
0x12c: {  	vm9 =	veq.f32 v9, v8;
	vm10 =	vlt.s32 v10, v7  }
0x12d: {  	vm11 =	vgt.f32 v9, v8;
	vm0 =	vmand vm9, vm10  }
0x12e: {  	vm0 =	vmor vm11, vm0  }
0x12f: {  	v8 =	vsel vm0, v9, v8;
	v7 =	vsel vm0, v10, v7  }
0x130: {  	v9 =	vperm.xlane v8, v6;
	v10 =	vperm.xlane v7, v6;
	_ =	sdelay $0x1  }
0x131: {  	vm12 =	veq.f32 v9, v8;
	vm13 =	vlt.s32 v10, v7  }
0x132: {  	vm14 =	vgt.f32 v9, v8;
	vm0 =	vmand vm12, vm13  }
0x133: {  	vm0 =	vmor vm14, vm0  }
0x134: {  	v7 =	vsel vm0, v10, v7  }
0x135: {  	(v2sf) =	vpush v7, $0x0;
	_ =	sdelay $0xe  }
0x136: {  	s8 =	spop (v2sf)  }
0x137: {  	s9 =	sand.u32 $0xF, s8  }
0x138: {  	v7 =	vmov s9  }
0x139: {  	vm15 =	veq.s32 v7, v0  }
0x13a: {  	v7 =	vsel vm15, $0x3F800000, v1  }
0x13b: {  	[tilespmem:$0x9000] =	vst v7  }
0x13c: {  	_ =	swait.ge [sflag:s3], $0x1000  }
0x13d: {  	[sflag:s3] =	ssyncset.done $0x0  }
0x13e: {  	[sflag:s3] =	ssyncadd.s32 $0xFFFFF000  }
0x13f: {  	_ =	swait.ge [sflag:s3], $0x1000  }
0x140: {  	[sflag:s3] =	ssyncset.done $0x0  }
0x141: {  	[sflag:s3] =	ssyncadd.s32 $0xFFFFF000  }
0x142: {  	_ =	swait.ge [sflag:s3], $0x1000  }
0x143: {  	[sflag:s3] =	ssyncset.done $0x0  }
0x144: {  	[sflag:s3] =	ssyncadd.s32 $0xFFFFF000  }
0x145: {  	_ =	swait.ge [sflag:s3], $0x1000  }
0x146: {  	[sflag:s3] =	ssyncset.done $0x0  }
0x147: {  	[sflag:s3] =	ssyncadd.s32 $0xFFFFF000  }
0x148: {  	_ =	swait.ge [sflag:s3], $0x1000  }
0x149: {  	[sflag:s3] =	ssyncset.done $0x0  }
0x14a: {  	[sflag:s3] =	ssyncadd.s32 $0xFFFFF000  }
0x14b: {  	_ =	swait.ge [sflag:s3], $0x1000  }
0x14c: {  	[sflag:s3] =	ssyncset.done $0x0  }
0x14d: {  	[sflag:s3] =	ssyncadd.s32 $0xFFFFF000  }
0x14e: {  	_ =	swait.ge [sflag:s3], $0x1000  }
0x14f: {  	s11 =	sshll.u32 s8, $0x3;
	[sflag:s3] =	ssyncset.done $0x0  }
0x150: {  	s9 =	sand.u32 $0xFFFFFC00, s11;
	[sflag:s3] =	ssyncadd.s32 $0xFFFFF000  }
0x151: {  	s8 =	sand.u32 $0x70, s8;
	s9 =	sadd.s32 s4, s9;
	_ =	swait.ge [sflag:s3], $0x1000  }
0x152: {  	s13 =	simm.s32 $0x9000;
	s8 =	sor.u32 s8, s9;
	[sflag:s3] =	ssyncset.done $0x0  }
0x153: {  	s7 =	sadd.s32 $0x1, s7;
	s8 =	sor.u32 s5, s8;
	[sflag:s3] =	ssyncadd.s32 $0xFFFFF000  }
0x154: {  	p0 =	sne.s32 s7, s22;
	s8 =	sshrl.u32 s8, $0x3;
	s12 =	rddreg [dreg:$0x1]  }
.Ltmp9:
0x155: {  	s8 =	sadd.s32 s12, s8;
	s12 =	simm.s32 $0x0;
	(pc) =	sbr.rel @p0 .LBB2_1-.Ltmp9, $4  }
0x156: {  	[hbm4b:s8+s12] =	stream.linear.scatter [tilespmem:s13], [sflag:$0xA], $0x10, $0x38;
	[tilespmem:$0x9080] =	vst v63  }
0x157: {  	_ =	swait.ge [sflag:s6], $0x10  }
0x158: {  	[sflag:s6] =	ssyncset.done $0x0  }
0x159: {  	[sflag:s6] =	ssyncadd.s32 $0xFFFFFFF0  }
0x15a: {  	_ =	sfence.sel $0x180000  }
0x15b: {  	[bflag:$0x0] =	sbarrier.arrive $0xFFFF  }
0x15c: {  	_ =	strace $0x90000047  }
0x15d: {  	s0 =	stileid.u32;
	[bflag:$0x2] =	sbarrier.arrive $0xFFFF  }
0x15e: {  	p0 =	sne.s32 s0, $0x0;
	s0 =	rddreg [dreg:$0x2]  }
0x15f: {  	s0 =	sadd.s32 @!p0 $0x100000, s0  }
0x160: {  	[sflag:s0] =	ssyncadd.tile.s32 @!p0 $0x1;
	_ =	shalt  }
.Lfunc_end2:
_tile_overlayer_lowered:
.L_overlay_start_2:
0x161: {  	(tag) =	ssettag $0x2  }
0x162: {  	s0 =	rddreg [dreg:$0x0];
	s2 =	stileid.u32  }
0x163: {  	s1 =	rddreg [dreg:$0x1];
	p0 =	sne.s32 s2, $0x0  }
0x164: {  	s3 =	rddreg [dreg:$0x2];
	[bflag:$0x3] =	sbarrier.arrive $0xFFFF;
	s2 =	simm.s32 @!p0 $0x1C0B  }
0x165: {  	[timem:s3], [sflag:s2] =	dma.local @!p0 [hbm:s0], s1  }
0x166: {  	s0 =	simm.s32 @!p0 $0xB  }
0x167: {  	_ =	swait.ge @!p0 [sflag:s0], s1  }
0x168: {  	s1 =	ssub.s32 @!p0 $0x0, s1;
	[sflag:s0] =	ssyncset.done @!p0 $0x0  }
0x169: {  	[sflag:s0] =	ssyncadd.s32 @!p0 s1  }
0x16a: {  	[bflag:$0x3] =	sbarrier.arrive $0xFFFF  }
0x16b: {  	_ =	shalt  }

</sc_bundles>
